<compile_context>
chip_gen: v7x
topology: tpu7x:2x2x1
jax: 0.10.2.dev20260603
libtpu: 0.0.44.dev20260713+nightly
codegen_flags: <defaults>
</compile_context>

<pallas_src>
import functools

import jax
import jax.numpy as jnp
from jax import lax
from jax.experimental import pallas as pl
from jax.experimental.pallas import tpu as pltpu
from jax.experimental.pallas import tpu_sc as plsc

N_NODES = 10000
N_EDGES = 320000
D = 128
NC, NS, L = 2, 16, 16
NW = NC * NS
CHUNK = 96
N_CHUNKS = 105
E_PER_W = N_CHUNKS * CHUNK
E_PAD = NW * E_PER_W
N_ACC = N_NODES + 16
R8 = (N_NODES // NS) // 8 * 8
TAIL = N_NODES - R8 * NS
ZTAIL = N_ACC - R8 * NS


def _sc_aggregate(x, src, dst):
    mesh = plsc.VectorSubcoreMesh(core_axis_name="c", subcore_axis_name="s")

    @functools.partial(
        pl.kernel,
        out_type=[
            jax.ShapeDtypeStruct((NC, N_NODES, D), jnp.float32),
            jax.ShapeDtypeStruct((NW, 1, N_NODES), jnp.float32),
        ],
        mesh=mesh,
        compiler_params=pltpu.CompilerParams(needs_layout_passes=False),
        scratch_types=[
            [pltpu.VMEM((CHUNK,), jnp.int32)] * 3,
            [pltpu.VMEM((CHUNK,), jnp.int32)] * 3,
            [pltpu.VMEM((CHUNK, D), jnp.float32)] * 3,
            pltpu.VMEM((N_ACC,), jnp.float32),
            [pltpu.SemaphoreType.DMA] * 3,
            [pltpu.SemaphoreType.DMA] * 3,
            pltpu.VMEM_SHARED((N_ACC, D), jnp.float32),
        ],
    )
    def k(x_hbm, src_hbm, dst_hbm, part_hbm, degp_hbm,
          srcv, dstv, rows, deg_v, isem, gsem, agg_sh):
        cid = lax.axis_index("c")
        sid = lax.axis_index("s")
        wid = sid * NC + cid

        def zrow(r, carry):
            for j in range(D // L):
                rows[0][r, pl.ds(j * L, L)] = jnp.zeros((L,), jnp.float32)
            return carry

        lax.fori_loop(0, CHUNK, zrow, 0)
        rpt = N_ACC // NS
        base = sid * rpt
        for j in range(rpt // CHUNK):
            pltpu.sync_copy(rows[0], agg_sh.at[pl.ds(base + j * CHUNK, CHUNK)])
        zt = rpt % CHUNK
        if zt:
            pltpu.sync_copy(rows[0].at[pl.ds(0, zt)],
                            agg_sh.at[pl.ds(base + (rpt // CHUNK) * CHUNK, zt)])

        def zdeg(i, carry):
            deg_v[pl.ds(i * L, L)] = jnp.zeros((L,), jnp.float32)
            return carry

        lax.fori_loop(0, N_ACC // L, zdeg, 0)
        plsc.subcore_barrier()

        ones = jnp.ones((L,), jnp.float32)

        def deg_update(b):
            def deg_body(j, c2):
                idx = dstv[b][pl.ds(j * L, L)]
                plsc.addupdate_scatter(deg_v, [idx], ones)
                return c2

            lax.fori_loop(0, CHUNK // L, deg_body, 0)

        def idx_load(c, b):
            base = wid * E_PER_W + c * CHUNK
            pltpu.async_copy(src_hbm.at[pl.ds(base, CHUNK)], srcv[b], isem[b])
            pltpu.async_copy(dst_hbm.at[pl.ds(base, CHUNK)], dstv[b], isem[b])

        def idx_wait(b):
            pltpu.make_async_copy(src_hbm.at[pl.ds(0, CHUNK)], srcv[b], isem[b]).wait()
            pltpu.make_async_copy(dst_hbm.at[pl.ds(0, CHUNK)], dstv[b], isem[b]).wait()

        def gather(b):
            pltpu.async_copy(x_hbm.at[srcv[b]], rows[b], gsem[b])

        def gather_wait(b):
            pltpu.make_async_copy(x_hbm.at[srcv[b]], rows[b], gsem[b]).wait()

        def scatter_add(b):
            pltpu.sync_copy(rows[b], agg_sh.at[dstv[b]], add=True)

        idx_load(0, 0)
        idx_load(1, 1)
        idx_load(2, 2)
        idx_wait(0)
        gather(0)
        idx_wait(1)
        gather(1)

        def ring_body(i, carry):
            c0 = 3 * i
            for k in range(3):
                b = k
                c = c0 + k
                gather_wait(b)
                scatter_add(b)
                deg_update(b)
                idx_load(jnp.minimum(c + 3, N_CHUNKS - 1), b)
                idx_wait((b + 2) % 3)
                gather((b + 2) % 3)
            return carry

        lax.fori_loop(0, N_CHUNKS // 3, ring_body, 0)
        gather_wait(0)
        gather_wait(1)
        idx_wait(2)

        plsc.subcore_barrier()
        pltpu.sync_copy(
            agg_sh.at[pl.ds(sid * R8, R8)],
            part_hbm.at[cid, pl.ds(sid * R8, R8)])

        @pl.when(sid == 1)
        def _():
            pltpu.sync_copy(
                agg_sh.at[pl.ds(NS * R8, TAIL)],
                part_hbm.at[cid, pl.ds(NS * R8, TAIL)])

        pltpu.sync_copy(deg_v.at[pl.ds(0, N_NODES)], degp_hbm.at[wid, 0])

    return k(x, src, dst)


def _tc_xw1(x, w1t, b2):
    G = 1000

    def body(x_ref, w1_ref, b_ref, o_ref):
        o_ref[...] = jnp.dot(
            x_ref[...], w1_ref[...], preferred_element_type=jnp.float32
        ) + b_ref[...]

    return pl.pallas_call(
        body,
        grid=(N_NODES // G,),
        in_specs=[
            pl.BlockSpec((G, D), lambda i: (i, 0)),
            pl.BlockSpec((D, D), lambda i: (0, 0)),
            pl.BlockSpec((1, D), lambda i: (0, 0)),
        ],
        out_specs=pl.BlockSpec((G, D), lambda i: (i, 0)),
        out_shape=jax.ShapeDtypeStruct((N_NODES, D), jnp.float32),
    )(x, w1t, b2)


def _tc_linear(xw1, part, degp, w2t):
    G = 1000

    def body(xw1_ref, p_ref, degp_ref, w2_ref, o_ref):
        deg = jnp.sum(degp_ref[...], axis=1)
        inv = 1.0 / jnp.maximum(deg, 1.0)
        h = (p_ref[0] + p_ref[1]) * inv[:, None]
        o_ref[...] = xw1_ref[...] + jnp.dot(
            h, w2_ref[...], preferred_element_type=jnp.float32)

    return pl.pallas_call(
        body,
        grid=(N_NODES // G,),
        in_specs=[
            pl.BlockSpec((G, D), lambda i: (i, 0)),
            pl.BlockSpec((NC, G, D), lambda i: (0, i, 0)),
            pl.BlockSpec((G, NW), lambda i: (i, 0)),
            pl.BlockSpec((D, D), lambda i: (0, 0)),
        ],
        out_specs=pl.BlockSpec((G, D), lambda i: (i, 0)),
        out_shape=jax.ShapeDtypeStruct((N_NODES, D), jnp.float32),
    )(xw1, part, degp, w2t)


def kernel(x, edge_index, W, b):
    padw = E_PER_W - N_EDGES // NW
    ew = N_EDGES // NW
    srcw = edge_index[0].astype(jnp.int32).reshape(NW, ew)
    dstw = edge_index[1].astype(jnp.int32).reshape(NW, ew)
    padsrc = jnp.broadcast_to(
        (jnp.arange(padw, dtype=jnp.int32) * 37) % N_NODES, (NW, padw))
    paddst = jnp.broadcast_to(
        N_NODES + jnp.arange(padw, dtype=jnp.int32) % 16, (NW, padw))
    src = jnp.concatenate([srcw, padsrc], axis=1).reshape(-1)
    dst = jnp.concatenate([dstw, paddst], axis=1).reshape(-1)
    xw1 = _tc_xw1(x, W[:, :D].T, b[None, :])
    part, degp = _sc_aggregate(x, src, dst)
    degp = degp.reshape(NW, N_NODES).T
    return _tc_linear(xw1, part, degp, W[:, D:].T)

# --- scband reference (transcript-rebuilt; emitter-appended) ---
"""Pipeline reference for scband-sagelayer-14224931684660 (READ-ONLY COPY).

The authoritative reference and input builder live on the scoring server;
editing this copy changes nothing except your own understanding.
"""

import jax, jax.numpy as jnp
import numpy as np

N_NODES = 10000
N_EDGES = 320000
D_IN = 128
D_OUT = 128


def setup_inputs(seed: int = 0) -> dict:
    key = jax.random.key(seed)
    k_x, k_e, k_w = jax.random.split(key, 3)
    x = jax.random.normal(k_x, (N_NODES, D_IN), dtype=jnp.float32)
    edge_index = jax.random.randint(k_e, (2, N_EDGES), 0, N_NODES, dtype=jnp.int64)
    # Linear(in_features*2, out_features): weight [D_OUT, 2*D_IN], bias [D_OUT]
    limit = 1.0 / np.sqrt(2 * D_IN)
    W = jax.random.uniform(k_w, (D_OUT, 2 * D_IN), minval=-limit, maxval=limit, dtype=jnp.float32)
    b = jnp.zeros((D_OUT,), dtype=jnp.float32)
    return {"x": x, "edge_index": edge_index, "W": W, "b": b}


def reference(x, edge_index, W, b):
    # DGL update_all(gcn_msg, gcn_reduce): message = src feature, reduce = mean over incoming edges
    src = edge_index[0]
    dst = edge_index[1]
    msgs = jnp.take(x, src, axis=0)                                   # gather: [E, D_IN]
    agg = jax.ops.segment_sum(msgs, dst, num_segments=N_NODES)        # scatter-add: [N, D_IN]
    deg = jax.ops.segment_sum(jnp.ones((msgs.shape[0],), dtype=x.dtype), dst, num_segments=N_NODES)
    h = agg / jnp.maximum(deg, 1.0)[:, None]                          # mean over mailbox; 0 for isolated nodes
    h_concat = jnp.concatenate([x, h], axis=1)                        # [N, 2*D_IN]
    out = h_concat @ W.T + b                                          # Linear
    return out

if __name__ == "__main__":
    import jax
    _d = setup_inputs()
    print(jax.jit(kernel)(*tuple(_d.values())))

</pallas_src>

<mosaic_0001>
#map = affine_map<(d0, d1) -> (0, 0)>
#map1 = affine_map<(d0, d1) -> (0)>
#map2 = affine_map<(d0, d1) -> (0, 0, 0)>
module attributes {stable_mosaic.version = 14 : i64} {
  func.func @k(%arg0: i32, %arg1: i32, %arg2: memref<10000x128xf32, #tpu.memory_space<hbm>>, %arg3: memref<322560xi32, #tpu.memory_space<hbm>>, %arg4: memref<322560xi32, #tpu.memory_space<hbm>>, %arg5: memref<2x10000x128xf32, #tpu.memory_space<hbm>>, %arg6: memref<32x1x10000xf32, #tpu.memory_space<hbm>>, %arg7: memref<96xi32, #tpu.memory_space<vmem>>, %arg8: memref<96xi32, #tpu.memory_space<vmem>>, %arg9: memref<96xi32, #tpu.memory_space<vmem>>, %arg10: memref<96xi32, #tpu.memory_space<vmem>>, %arg11: memref<96xi32, #tpu.memory_space<vmem>>, %arg12: memref<96xi32, #tpu.memory_space<vmem>>, %arg13: memref<96x128xf32, #tpu.memory_space<vmem>>, %arg14: memref<96x128xf32, #tpu.memory_space<vmem>>, %arg15: memref<96x128xf32, #tpu.memory_space<vmem>>, %arg16: memref<10016xf32, #tpu.memory_space<vmem>>, %arg17: memref<!tpu.dma_semaphore, #tpu.memory_space<semaphore_mem>>, %arg18: memref<!tpu.dma_semaphore, #tpu.memory_space<semaphore_mem>>, %arg19: memref<!tpu.dma_semaphore, #tpu.memory_space<semaphore_mem>>, %arg20: memref<!tpu.dma_semaphore, #tpu.memory_space<semaphore_mem>>, %arg21: memref<!tpu.dma_semaphore, #tpu.memory_space<semaphore_mem>>, %arg22: memref<!tpu.dma_semaphore, #tpu.memory_space<semaphore_mem>>, %arg23: memref<10016x128xf32, #tpu.memory_space<vmem_shared>>) attributes {dimension_semantics = [#tpu.dimension_semantics<core_parallel>, #tpu.dimension_semantics<subcore_parallel>], iteration_bounds = array<i64: 2, 16>, scalar_prefetch = 0 : i64, scratch_operands = 17 : i64, tpu.core_type = #tpu.core_type<sc_vector_subcore>, window_params = [{transform_indices = #map}, {transform_indices = #map1}, {transform_indices = #map1}, {transform_indices = #map2}, {transform_indices = #map2}]} {
    %mul3A = arith.constant 2 : i32
    %mul3A_0 = arith.muli %arg1, %mul3A : i32
    %add3A = arith.addi %mul3A_0, %arg0 : i32
    %scan3A = arith.constant 0 : i32
    %scan3A_1 = arith.constant 0 : i32
    %scan3A_2 = arith.constant 96 : i32
    %scan3A_3 = arith.addi %scan3A_1, %scan3A_2 : i32
    %scan3A_4 = arith.constant 1 : i32
    scf.for %scan3A_100 = %scan3A_1 to %scan3A_3 step %scan3A_4  : i32 {
      %broadcast_in_dim3A_101 = arith.constant 0.000000e+00 : f32
      %broadcast_in_dim3A_102 = vector.broadcast %broadcast_in_dim3A_101 : f32 to vector<16xf32>
      %swap3A = arith.index_cast %scan3A_100 : i32 to index
      %swap3A_103 = arith.constant 0 : index
      %swap3A_104 = tpu.vector_load %arg13[%swap3A, %swap3A_103] {strides = array<i32>} : memref<96x128xf32, #tpu.memory_space<vmem>>, vector<16xf32>,
      tpu.vector_store %arg13[%swap3A, %swap3A_103], %broadcast_in_dim3A_102 {strides = array<i32>} : memref<96x128xf32, #tpu.memory_space<vmem>>, vector<16xf32>,
      %broadcast_in_dim3A_105 = arith.constant 0.000000e+00 : f32
      %broadcast_in_dim3A_106 = vector.broadcast %broadcast_in_dim3A_105 : f32 to vector<16xf32>
      %swap3A_107 = arith.index_cast %scan3A_100 : i32 to index
      %swap3A_108 = arith.constant 16 : index
      %swap3A_109 = tpu.vector_load %arg13[%swap3A_107, %swap3A_108] {strides = array<i32>} : memref<96x128xf32, #tpu.memory_space<vmem>>, vector<16xf32>,
      tpu.vector_store %arg13[%swap3A_107, %swap3A_108], %broadcast_in_dim3A_106 {strides = array<i32>} : memref<96x128xf32, #tpu.memory_space<vmem>>, vector<16xf32>,
      %broadcast_in_dim3A_110 = arith.constant 0.000000e+00 : f32
      %broadcast_in_dim3A_111 = vector.broadcast %broadcast_in_dim3A_110 : f32 to vector<16xf32>
      %swap3A_112 = arith.index_cast %scan3A_100 : i32 to index
      %swap3A_113 = arith.constant 32 : index
      %swap3A_114 = tpu.vector_load %arg13[%swap3A_112, %swap3A_113] {strides = array<i32>} : memref<96x128xf32, #tpu.memory_space<vmem>>, vector<16xf32>,
      tpu.vector_store %arg13[%swap3A_112, %swap3A_113], %broadcast_in_dim3A_111 {strides = array<i32>} : memref<96x128xf32, #tpu.memory_space<vmem>>, vector<16xf32>,
      %broadcast_in_dim3A_115 = arith.constant 0.000000e+00 : f32
      %broadcast_in_dim3A_116 = vector.broadcast %broadcast_in_dim3A_115 : f32 to vector<16xf32>
      %swap3A_117 = arith.index_cast %scan3A_100 : i32 to index
      %swap3A_118 = arith.constant 48 : index
      %swap3A_119 = tpu.vector_load %arg13[%swap3A_117, %swap3A_118] {strides = array<i32>} : memref<96x128xf32, #tpu.memory_space<vmem>>, vector<16xf32>,
      tpu.vector_store %arg13[%swap3A_117, %swap3A_118], %broadcast_in_dim3A_116 {strides = array<i32>} : memref<96x128xf32, #tpu.memory_space<vmem>>, vector<16xf32>,
      %broadcast_in_dim3A_120 = arith.constant 0.000000e+00 : f32
      %broadcast_in_dim3A_121 = vector.broadcast %broadcast_in_dim3A_120 : f32 to vector<16xf32>
      %swap3A_122 = arith.index_cast %scan3A_100 : i32 to index
      %swap3A_123 = arith.constant 64 : index
      %swap3A_124 = tpu.vector_load %arg13[%swap3A_122, %swap3A_123] {strides = array<i32>} : memref<96x128xf32, #tpu.memory_space<vmem>>, vector<16xf32>,
      tpu.vector_store %arg13[%swap3A_122, %swap3A_123], %broadcast_in_dim3A_121 {strides = array<i32>} : memref<96x128xf32, #tpu.memory_space<vmem>>, vector<16xf32>,
      %broadcast_in_dim3A_125 = arith.constant 0.000000e+00 : f32
      %broadcast_in_dim3A_126 = vector.broadcast %broadcast_in_dim3A_125 : f32 to vector<16xf32>
      %swap3A_127 = arith.index_cast %scan3A_100 : i32 to index
      %swap3A_128 = arith.constant 80 : index
      %swap3A_129 = tpu.vector_load %arg13[%swap3A_127, %swap3A_128] {strides = array<i32>} : memref<96x128xf32, #tpu.memory_space<vmem>>, vector<16xf32>,
      tpu.vector_store %arg13[%swap3A_127, %swap3A_128], %broadcast_in_dim3A_126 {strides = array<i32>} : memref<96x128xf32, #tpu.memory_space<vmem>>, vector<16xf32>,
      %broadcast_in_dim3A_130 = arith.constant 0.000000e+00 : f32
      %broadcast_in_dim3A_131 = vector.broadcast %broadcast_in_dim3A_130 : f32 to vector<16xf32>
      %swap3A_132 = arith.index_cast %scan3A_100 : i32 to index
      %swap3A_133 = arith.constant 96 : index
      %swap3A_134 = tpu.vector_load %arg13[%swap3A_132, %swap3A_133] {strides = array<i32>} : memref<96x128xf32, #tpu.memory_space<vmem>>, vector<16xf32>,
      tpu.vector_store %arg13[%swap3A_132, %swap3A_133], %broadcast_in_dim3A_131 {strides = array<i32>} : memref<96x128xf32, #tpu.memory_space<vmem>>, vector<16xf32>,
      %broadcast_in_dim3A_135 = arith.constant 0.000000e+00 : f32
      %broadcast_in_dim3A_136 = vector.broadcast %broadcast_in_dim3A_135 : f32 to vector<16xf32>
      %swap3A_137 = arith.index_cast %scan3A_100 : i32 to index
      %swap3A_138 = arith.constant 112 : index
      %swap3A_139 = tpu.vector_load %arg13[%swap3A_137, %swap3A_138] {strides = array<i32>} : memref<96x128xf32, #tpu.memory_space<vmem>>, vector<16xf32>,
      tpu.vector_store %arg13[%swap3A_137, %swap3A_138], %broadcast_in_dim3A_136 {strides = array<i32>} : memref<96x128xf32, #tpu.memory_space<vmem>>, vector<16xf32>,
    }
    %scan3A_5 = arith.constant 96 : i32
    %mul3A_6 = arith.constant 626 : i32
    %mul3A_7 = arith.muli %arg1, %mul3A_6 : i32
    %add3A_8 = arith.constant 0 : i32
    %add3A_9 = arith.addi %mul3A_7, %add3A_8 : i32
    "tpu.region"() ({
      %run_scoped3A_100 = tpu.sem_alloc : memref<!tpu.dma_semaphore, #tpu.memory_space<semaphore_mem>>
      %dma_start3A_101 = arith.constant 0 : i32
      %dma_start3A_102 = tpu.memref_slice %arg23[%add3A_9, %dma_start3A_101] : memref<10016x128xf32, #tpu.memory_space<vmem_shared>> -> memref<96x128xf32, #tpu.memory_space<vmem_shared>>
      %dma_start3A_103 = arith.constant 0 : i32
      %dma_start3A_104 = tpu.memref_slice %arg23[%add3A_9, %dma_start3A_103] : memref<10016x128xf32, #tpu.memory_space<vmem_shared>> -> memref<96x128xf32, #tpu.memory_space<vmem_shared>>
      tpu.enqueue_dma source(%arg13 : memref<96x128xf32, #tpu.memory_space<vmem>>) target(%dma_start3A_104 : memref<96x128xf32, #tpu.memory_space<vmem_shared>>) target_semaphore(%run_scoped3A_100 : memref<!tpu.dma_semaphore, #tpu.memory_space<semaphore_mem>>)
      %dma_wait3A_105 = arith.constant 0 : i32
      %dma_wait3A_106 = tpu.memref_slice %arg23[%add3A_9, %dma_wait3A_105] : memref<10016x128xf32, #tpu.memory_space<vmem_shared>> -> memref<96x128xf32, #tpu.memory_space<vmem_shared>>
      %dma_wait3A_107 = arith.constant 0 : i32
      %dma_wait3A_108 = tpu.memref_slice %arg23[%add3A_9, %dma_wait3A_107] : memref<10016x128xf32, #tpu.memory_space<vmem_shared>> -> memref<96x128xf32, #tpu.memory_space<vmem_shared>>
      tpu.wait_dma2 semaphore(%run_scoped3A_100 : memref<!tpu.dma_semaphore, #tpu.memory_space<semaphore_mem>>) src(%arg13 : memref<96x128xf32, #tpu.memory_space<vmem>>) dst(%dma_wait3A_108 : memref<96x128xf32, #tpu.memory_space<vmem_shared>>)
      tpu.yield
    }) : () -> ()
    %add3A_10 = arith.constant 96 : i32
    %add3A_11 = arith.addi %mul3A_7, %add3A_10 : i32
    "tpu.region"() ({
      %run_scoped3A_100 = tpu.sem_alloc : memref<!tpu.dma_semaphore, #tpu.memory_space<semaphore_mem>>
      %dma_start3A_101 = arith.constant 0 : i32
      %dma_start3A_102 = tpu.memref_slice %arg23[%add3A_11, %dma_start3A_101] : memref<10016x128xf32, #tpu.memory_space<vmem_shared>> -> memref<96x128xf32, #tpu.memory_space<vmem_shared>>
      %dma_start3A_103 = arith.constant 0 : i32
      %dma_start3A_104 = tpu.memref_slice %arg23[%add3A_11, %dma_start3A_103] : memref<10016x128xf32, #tpu.memory_space<vmem_shared>> -> memref<96x128xf32, #tpu.memory_space<vmem_shared>>
      tpu.enqueue_dma source(%arg13 : memref<96x128xf32, #tpu.memory_space<vmem>>) target(%dma_start3A_104 : memref<96x128xf32, #tpu.memory_space<vmem_shared>>) target_semaphore(%run_scoped3A_100 : memref<!tpu.dma_semaphore, #tpu.memory_space<semaphore_mem>>)
      %dma_wait3A_105 = arith.constant 0 : i32
      %dma_wait3A_106 = tpu.memref_slice %arg23[%add3A_11, %dma_wait3A_105] : memref<10016x128xf32, #tpu.memory_space<vmem_shared>> -> memref<96x128xf32, #tpu.memory_space<vmem_shared>>
      %dma_wait3A_107 = arith.constant 0 : i32
      %dma_wait3A_108 = tpu.memref_slice %arg23[%add3A_11, %dma_wait3A_107] : memref<10016x128xf32, #tpu.memory_space<vmem_shared>> -> memref<96x128xf32, #tpu.memory_space<vmem_shared>>
      tpu.wait_dma2 semaphore(%run_scoped3A_100 : memref<!tpu.dma_semaphore, #tpu.memory_space<semaphore_mem>>) src(%arg13 : memref<96x128xf32, #tpu.memory_space<vmem>>) dst(%dma_wait3A_108 : memref<96x128xf32, #tpu.memory_space<vmem_shared>>)
      tpu.yield
    }) : () -> ()
    %add3A_12 = arith.constant 192 : i32
    %add3A_13 = arith.addi %mul3A_7, %add3A_12 : i32
    "tpu.region"() ({
      %run_scoped3A_100 = tpu.sem_alloc : memref<!tpu.dma_semaphore, #tpu.memory_space<semaphore_mem>>
      %dma_start3A_101 = arith.constant 0 : i32
      %dma_start3A_102 = tpu.memref_slice %arg23[%add3A_13, %dma_start3A_101] : memref<10016x128xf32, #tpu.memory_space<vmem_shared>> -> memref<96x128xf32, #tpu.memory_space<vmem_shared>>
      %dma_start3A_103 = arith.constant 0 : i32
      %dma_start3A_104 = tpu.memref_slice %arg23[%add3A_13, %dma_start3A_103] : memref<10016x128xf32, #tpu.memory_space<vmem_shared>> -> memref<96x128xf32, #tpu.memory_space<vmem_shared>>
      tpu.enqueue_dma source(%arg13 : memref<96x128xf32, #tpu.memory_space<vmem>>) target(%dma_start3A_104 : memref<96x128xf32, #tpu.memory_space<vmem_shared>>) target_semaphore(%run_scoped3A_100 : memref<!tpu.dma_semaphore, #tpu.memory_space<semaphore_mem>>)
      %dma_wait3A_105 = arith.constant 0 : i32
      %dma_wait3A_106 = tpu.memref_slice %arg23[%add3A_13, %dma_wait3A_105] : memref<10016x128xf32, #tpu.memory_space<vmem_shared>> -> memref<96x128xf32, #tpu.memory_space<vmem_shared>>
      %dma_wait3A_107 = arith.constant 0 : i32
      %dma_wait3A_108 = tpu.memref_slice %arg23[%add3A_13, %dma_wait3A_107] : memref<10016x128xf32, #tpu.memory_space<vmem_shared>> -> memref<96x128xf32, #tpu.memory_space<vmem_shared>>
      tpu.wait_dma2 semaphore(%run_scoped3A_100 : memref<!tpu.dma_semaphore, #tpu.memory_space<semaphore_mem>>) src(%arg13 : memref<96x128xf32, #tpu.memory_space<vmem>>) dst(%dma_wait3A_108 : memref<96x128xf32, #tpu.memory_space<vmem_shared>>)
      tpu.yield
    }) : () -> ()
    %add3A_14 = arith.constant 288 : i32
    %add3A_15 = arith.addi %mul3A_7, %add3A_14 : i32
    "tpu.region"() ({
      %run_scoped3A_100 = tpu.sem_alloc : memref<!tpu.dma_semaphore, #tpu.memory_space<semaphore_mem>>
      %dma_start3A_101 = arith.constant 0 : i32
      %dma_start3A_102 = tpu.memref_slice %arg23[%add3A_15, %dma_start3A_101] : memref<10016x128xf32, #tpu.memory_space<vmem_shared>> -> memref<96x128xf32, #tpu.memory_space<vmem_shared>>
      %dma_start3A_103 = arith.constant 0 : i32
      %dma_start3A_104 = tpu.memref_slice %arg23[%add3A_15, %dma_start3A_103] : memref<10016x128xf32, #tpu.memory_space<vmem_shared>> -> memref<96x128xf32, #tpu.memory_space<vmem_shared>>
      tpu.enqueue_dma source(%arg13 : memref<96x128xf32, #tpu.memory_space<vmem>>) target(%dma_start3A_104 : memref<96x128xf32, #tpu.memory_space<vmem_shared>>) target_semaphore(%run_scoped3A_100 : memref<!tpu.dma_semaphore, #tpu.memory_space<semaphore_mem>>)
      %dma_wait3A_105 = arith.constant 0 : i32
      %dma_wait3A_106 = tpu.memref_slice %arg23[%add3A_15, %dma_wait3A_105] : memref<10016x128xf32, #tpu.memory_space<vmem_shared>> -> memref<96x128xf32, #tpu.memory_space<vmem_shared>>
      %dma_wait3A_107 = arith.constant 0 : i32
      %dma_wait3A_108 = tpu.memref_slice %arg23[%add3A_15, %dma_wait3A_107] : memref<10016x128xf32, #tpu.memory_space<vmem_shared>> -> memref<96x128xf32, #tpu.memory_space<vmem_shared>>
      tpu.wait_dma2 semaphore(%run_scoped3A_100 : memref<!tpu.dma_semaphore, #tpu.memory_space<semaphore_mem>>) src(%arg13 : memref<96x128xf32, #tpu.memory_space<vmem>>) dst(%dma_wait3A_108 : memref<96x128xf32, #tpu.memory_space<vmem_shared>>)
      tpu.yield
    }) : () -> ()
    %add3A_16 = arith.constant 384 : i32
    %add3A_17 = arith.addi %mul3A_7, %add3A_16 : i32
    "tpu.region"() ({
      %run_scoped3A_100 = tpu.sem_alloc : memref<!tpu.dma_semaphore, #tpu.memory_space<semaphore_mem>>
      %dma_start3A_101 = arith.constant 0 : i32
      %dma_start3A_102 = tpu.memref_slice %arg23[%add3A_17, %dma_start3A_101] : memref<10016x128xf32, #tpu.memory_space<vmem_shared>> -> memref<96x128xf32, #tpu.memory_space<vmem_shared>>
      %dma_start3A_103 = arith.constant 0 : i32
      %dma_start3A_104 = tpu.memref_slice %arg23[%add3A_17, %dma_start3A_103] : memref<10016x128xf32, #tpu.memory_space<vmem_shared>> -> memref<96x128xf32, #tpu.memory_space<vmem_shared>>
      tpu.enqueue_dma source(%arg13 : memref<96x128xf32, #tpu.memory_space<vmem>>) target(%dma_start3A_104 : memref<96x128xf32, #tpu.memory_space<vmem_shared>>) target_semaphore(%run_scoped3A_100 : memref<!tpu.dma_semaphore, #tpu.memory_space<semaphore_mem>>)
      %dma_wait3A_105 = arith.constant 0 : i32
      %dma_wait3A_106 = tpu.memref_slice %arg23[%add3A_17, %dma_wait3A_105] : memref<10016x128xf32, #tpu.memory_space<vmem_shared>> -> memref<96x128xf32, #tpu.memory_space<vmem_shared>>
      %dma_wait3A_107 = arith.constant 0 : i32
      %dma_wait3A_108 = tpu.memref_slice %arg23[%add3A_17, %dma_wait3A_107] : memref<10016x128xf32, #tpu.memory_space<vmem_shared>> -> memref<96x128xf32, #tpu.memory_space<vmem_shared>>
      tpu.wait_dma2 semaphore(%run_scoped3A_100 : memref<!tpu.dma_semaphore, #tpu.memory_space<semaphore_mem>>) src(%arg13 : memref<96x128xf32, #tpu.memory_space<vmem>>) dst(%dma_wait3A_108 : memref<96x128xf32, #tpu.memory_space<vmem_shared>>)
      tpu.yield
    }) : () -> ()
    %add3A_18 = arith.constant 480 : i32
    %add3A_19 = arith.addi %mul3A_7, %add3A_18 : i32
    "tpu.region"() ({
      %run_scoped3A_100 = tpu.sem_alloc : memref<!tpu.dma_semaphore, #tpu.memory_space<semaphore_mem>>
      %dma_start3A_101 = arith.constant 0 : i32
      %dma_start3A_102 = tpu.memref_slice %arg23[%add3A_19, %dma_start3A_101] : memref<10016x128xf32, #tpu.memory_space<vmem_shared>> -> memref<96x128xf32, #tpu.memory_space<vmem_shared>>
      %dma_start3A_103 = arith.constant 0 : i32
      %dma_start3A_104 = tpu.memref_slice %arg23[%add3A_19, %dma_start3A_103] : memref<10016x128xf32, #tpu.memory_space<vmem_shared>> -> memref<96x128xf32, #tpu.memory_space<vmem_shared>>
      tpu.enqueue_dma source(%arg13 : memref<96x128xf32, #tpu.memory_space<vmem>>) target(%dma_start3A_104 : memref<96x128xf32, #tpu.memory_space<vmem_shared>>) target_semaphore(%run_scoped3A_100 : memref<!tpu.dma_semaphore, #tpu.memory_space<semaphore_mem>>)
      %dma_wait3A_105 = arith.constant 0 : i32
      %dma_wait3A_106 = tpu.memref_slice %arg23[%add3A_19, %dma_wait3A_105] : memref<10016x128xf32, #tpu.memory_space<vmem_shared>> -> memref<96x128xf32, #tpu.memory_space<vmem_shared>>
      %dma_wait3A_107 = arith.constant 0 : i32
      %dma_wait3A_108 = tpu.memref_slice %arg23[%add3A_19, %dma_wait3A_107] : memref<10016x128xf32, #tpu.memory_space<vmem_shared>> -> memref<96x128xf32, #tpu.memory_space<vmem_shared>>
      tpu.wait_dma2 semaphore(%run_scoped3A_100 : memref<!tpu.dma_semaphore, #tpu.memory_space<semaphore_mem>>) src(%arg13 : memref<96x128xf32, #tpu.memory_space<vmem>>) dst(%dma_wait3A_108 : memref<96x128xf32, #tpu.memory_space<vmem_shared>>)
      tpu.yield
    }) : () -> ()
    %add3A_20 = arith.constant 576 : i32
    %add3A_21 = arith.addi %mul3A_7, %add3A_20 : i32
    "tpu.region"() ({
      %run_scoped3A_100 = tpu.sem_alloc : memref<!tpu.dma_semaphore, #tpu.memory_space<semaphore_mem>>
      %dma_start3A_101 = arith.constant 0 : i32
      %dma_start3A_102 = arith.constant 0 : i32
      %dma_start3A_103 = tpu.memref_slice %arg13[%dma_start3A_101, %dma_start3A_102] : memref<96x128xf32, #tpu.memory_space<vmem>> -> memref<50x128xf32, #tpu.memory_space<vmem>>
      %dma_start3A_104 = arith.constant 0 : i32
      %dma_start3A_105 = tpu.memref_slice %arg23[%add3A_21, %dma_start3A_104] : memref<10016x128xf32, #tpu.memory_space<vmem_shared>> -> memref<50x128xf32, #tpu.memory_space<vmem_shared>>
      %dma_start3A_106 = arith.constant 0 : i32
      %dma_start3A_107 = tpu.memref_slice %arg23[%add3A_21, %dma_start3A_106] : memref<10016x128xf32, #tpu.memory_space<vmem_shared>> -> memref<50x128xf32, #tpu.memory_space<vmem_shared>>
      %dma_start3A_108 = arith.constant 0 : i32
      %dma_start3A_109 = arith.constant 0 : i32
      %dma_start3A_110 = tpu.memref_slice %arg13[%dma_start3A_108, %dma_start3A_109] : memref<96x128xf32, #tpu.memory_space<vmem>> -> memref<50x128xf32, #tpu.memory_space<vmem>>
      tpu.enqueue_dma source(%dma_start3A_110 : memref<50x128xf32, #tpu.memory_space<vmem>>) target(%dma_start3A_107 : memref<50x128xf32, #tpu.memory_space<vmem_shared>>) target_semaphore(%run_scoped3A_100 : memref<!tpu.dma_semaphore, #tpu.memory_space<semaphore_mem>>)
      %dma_wait3A_111 = arith.constant 0 : i32
      %dma_wait3A_112 = arith.constant 0 : i32
      %dma_wait3A_113 = tpu.memref_slice %arg13[%dma_wait3A_111, %dma_wait3A_112] : memref<96x128xf32, #tpu.memory_space<vmem>> -> memref<50x128xf32, #tpu.memory_space<vmem>>
      %dma_wait3A_114 = arith.constant 0 : i32
      %dma_wait3A_115 = tpu.memref_slice %arg23[%add3A_21, %dma_wait3A_114] : memref<10016x128xf32, #tpu.memory_space<vmem_shared>> -> memref<50x128xf32, #tpu.memory_space<vmem_shared>>
      %dma_wait3A_116 = arith.constant 0 : i32
      %dma_wait3A_117 = tpu.memref_slice %arg23[%add3A_21, %dma_wait3A_116] : memref<10016x128xf32, #tpu.memory_space<vmem_shared>> -> memref<50x128xf32, #tpu.memory_space<vmem_shared>>
      %dma_wait3A_118 = arith.constant 0 : i32
      %dma_wait3A_119 = arith.constant 0 : i32
      %dma_wait3A_120 = tpu.memref_slice %arg13[%dma_wait3A_118, %dma_wait3A_119] : memref<96x128xf32, #tpu.memory_space<vmem>> -> memref<50x128xf32, #tpu.memory_space<vmem>>
      tpu.wait_dma2 semaphore(%run_scoped3A_100 : memref<!tpu.dma_semaphore, #tpu.memory_space<semaphore_mem>>) src(%dma_wait3A_120 : memref<50x128xf32, #tpu.memory_space<vmem>>) dst(%dma_wait3A_117 : memref<50x128xf32, #tpu.memory_space<vmem_shared>>)
      tpu.yield
    }) : () -> ()
    %scan3A_22 = arith.constant 0 : i32
    %scan3A_23 = arith.constant 0 : i32
    %scan3A_24 = arith.constant 626 : i32
    %scan3A_25 = arith.addi %scan3A_23, %scan3A_24 : i32
    %scan3A_26 = arith.constant 1 : i32
    scf.for %scan3A_100 = %scan3A_23 to %scan3A_25 step %scan3A_26  : i32 {
      %broadcast_in_dim3A_101 = arith.constant 0.000000e+00 : f32
      %broadcast_in_dim3A_102 = vector.broadcast %broadcast_in_dim3A_101 : f32 to vector<16xf32>
      %mul3A_103 = arith.constant 16 : i32
      %mul3A_104 = arith.muli %scan3A_100, %mul3A_103 : i32
      %swap3A = arith.index_cast %mul3A_104 : i32 to index
      %swap3A_105 = tpu.vector_load %arg16[%swap3A] {strides = array<i32>} : memref<10016xf32, #tpu.memory_space<vmem>>, vector<16xf32>,
      tpu.vector_store %arg16[%swap3A], %broadcast_in_dim3A_102 {strides = array<i32>} : memref<10016xf32, #tpu.memory_space<vmem>>, vector<16xf32>,
    }
    %scan3A_27 = arith.constant 626 : i32
    %barrier3A = arith.constant 0 : index
    tpu.barrier barrier_id(%barrier3A)
    %broadcast_in_dim3A = arith.constant 1.000000e+00 : f32
    %broadcast_in_dim3A_28 = vector.broadcast %broadcast_in_dim3A : f32 to vector<16xf32>
    %mul3A_29 = arith.constant 10080 : i32
    %mul3A_30 = arith.muli %add3A, %mul3A_29 : i32
    %add3A_31 = arith.constant 0 : i32
    %add3A_32 = arith.addi %mul3A_30, %add3A_31 : i32
    %dma_start3A = tpu.memref_slice %arg3[%add3A_32] : memref<322560xi32, #tpu.memory_space<hbm>> -> memref<96xi32, #tpu.memory_space<hbm>>
    %dma_start3A_33 = tpu.memref_slice %arg3[%add3A_32] : memref<322560xi32, #tpu.memory_space<hbm>> -> memref<96xi32, #tpu.memory_space<hbm>>
    tpu.enqueue_dma source(%dma_start3A_33 : memref<96xi32, #tpu.memory_space<hbm>>) target(%arg7 : memref<96xi32, #tpu.memory_space<vmem>>) target_semaphore(%arg17 : memref<!tpu.dma_semaphore, #tpu.memory_space<semaphore_mem>>)
    %dma_start3A_34 = tpu.memref_slice %arg4[%add3A_32] : memref<322560xi32, #tpu.memory_space<hbm>> -> memref<96xi32, #tpu.memory_space<hbm>>
    %dma_start3A_35 = tpu.memref_slice %arg4[%add3A_32] : memref<322560xi32, #tpu.memory_space<hbm>> -> memref<96xi32, #tpu.memory_space<hbm>>
    tpu.enqueue_dma source(%dma_start3A_35 : memref<96xi32, #tpu.memory_space<hbm>>) target(%arg10 : memref<96xi32, #tpu.memory_space<vmem>>) target_semaphore(%arg17 : memref<!tpu.dma_semaphore, #tpu.memory_space<semaphore_mem>>)
    %mul3A_36 = arith.constant 10080 : i32
    %mul3A_37 = arith.muli %add3A, %mul3A_36 : i32
    %add3A_38 = arith.constant 96 : i32
    %add3A_39 = arith.addi %mul3A_37, %add3A_38 : i32
    %dma_start3A_40 = tpu.memref_slice %arg3[%add3A_39] : memref<322560xi32, #tpu.memory_space<hbm>> -> memref<96xi32, #tpu.memory_space<hbm>>
    %dma_start3A_41 = tpu.memref_slice %arg3[%add3A_39] : memref<322560xi32, #tpu.memory_space<hbm>> -> memref<96xi32, #tpu.memory_space<hbm>>
    tpu.enqueue_dma source(%dma_start3A_41 : memref<96xi32, #tpu.memory_space<hbm>>) target(%arg8 : memref<96xi32, #tpu.memory_space<vmem>>) target_semaphore(%arg18 : memref<!tpu.dma_semaphore, #tpu.memory_space<semaphore_mem>>)
    %dma_start3A_42 = tpu.memref_slice %arg4[%add3A_39] : memref<322560xi32, #tpu.memory_space<hbm>> -> memref<96xi32, #tpu.memory_space<hbm>>
    %dma_start3A_43 = tpu.memref_slice %arg4[%add3A_39] : memref<322560xi32, #tpu.memory_space<hbm>> -> memref<96xi32, #tpu.memory_space<hbm>>
    tpu.enqueue_dma source(%dma_start3A_43 : memref<96xi32, #tpu.memory_space<hbm>>) target(%arg11 : memref<96xi32, #tpu.memory_space<vmem>>) target_semaphore(%arg18 : memref<!tpu.dma_semaphore, #tpu.memory_space<semaphore_mem>>)
    %mul3A_44 = arith.constant 10080 : i32
    %mul3A_45 = arith.muli %add3A, %mul3A_44 : i32
    %add3A_46 = arith.constant 192 : i32
    %add3A_47 = arith.addi %mul3A_45, %add3A_46 : i32
    %dma_start3A_48 = tpu.memref_slice %arg3[%add3A_47] : memref<322560xi32, #tpu.memory_space<hbm>> -> memref<96xi32, #tpu.memory_space<hbm>>
    %dma_start3A_49 = tpu.memref_slice %arg3[%add3A_47] : memref<322560xi32, #tpu.memory_space<hbm>> -> memref<96xi32, #tpu.memory_space<hbm>>
    tpu.enqueue_dma source(%dma_start3A_49 : memref<96xi32, #tpu.memory_space<hbm>>) target(%arg9 : memref<96xi32, #tpu.memory_space<vmem>>) target_semaphore(%arg19 : memref<!tpu.dma_semaphore, #tpu.memory_space<semaphore_mem>>)
    %dma_start3A_50 = tpu.memref_slice %arg4[%add3A_47] : memref<322560xi32, #tpu.memory_space<hbm>> -> memref<96xi32, #tpu.memory_space<hbm>>
    %dma_start3A_51 = tpu.memref_slice %arg4[%add3A_47] : memref<322560xi32, #tpu.memory_space<hbm>> -> memref<96xi32, #tpu.memory_space<hbm>>
    tpu.enqueue_dma source(%dma_start3A_51 : memref<96xi32, #tpu.memory_space<hbm>>) target(%arg12 : memref<96xi32, #tpu.memory_space<vmem>>) target_semaphore(%arg19 : memref<!tpu.dma_semaphore, #tpu.memory_space<semaphore_mem>>)
    %dma_wait3A = arith.constant 0 : i32
    %dma_wait3A_52 = tpu.memref_slice %arg3[%dma_wait3A] : memref<322560xi32, #tpu.memory_space<hbm>> -> memref<96xi32, #tpu.memory_space<hbm>>
    %dma_wait3A_53 = arith.constant 0 : i32
    %dma_wait3A_54 = tpu.memref_slice %arg3[%dma_wait3A_53] : memref<322560xi32, #tpu.memory_space<hbm>> -> memref<96xi32, #tpu.memory_space<hbm>>
    tpu.wait_dma2 semaphore(%arg17 : memref<!tpu.dma_semaphore, #tpu.memory_space<semaphore_mem>>) src(%dma_wait3A_54 : memref<96xi32, #tpu.memory_space<hbm>>) dst(%arg7 : memref<96xi32, #tpu.memory_space<vmem>>)
    %dma_wait3A_55 = arith.constant 0 : i32
    %dma_wait3A_56 = tpu.memref_slice %arg4[%dma_wait3A_55] : memref<322560xi32, #tpu.memory_space<hbm>> -> memref<96xi32, #tpu.memory_space<hbm>>
    %dma_wait3A_57 = arith.constant 0 : i32
    %dma_wait3A_58 = tpu.memref_slice %arg4[%dma_wait3A_57] : memref<322560xi32, #tpu.memory_space<hbm>> -> memref<96xi32, #tpu.memory_space<hbm>>
    tpu.wait_dma2 semaphore(%arg17 : memref<!tpu.dma_semaphore, #tpu.memory_space<semaphore_mem>>) src(%dma_wait3A_58 : memref<96xi32, #tpu.memory_space<hbm>>) dst(%arg10 : memref<96xi32, #tpu.memory_space<vmem>>)
    %dma_start3A_59 = arith.constant 0 : i32
    %dma_start3A_60 = arith.constant 0 : i32
    %dma_start3A_61 = tpu.memref_slice %arg2[%dma_start3A_59, %dma_start3A_60] : memref<10000x128xf32, #tpu.memory_space<hbm>> -> memref<10000x128xf32, #tpu.memory_space<hbm>>
    tpu.enqueue_indirect_dma source(%dma_start3A_61 : memref<10000x128xf32, #tpu.memory_space<hbm>>) target(%arg13 : memref<96x128xf32, #tpu.memory_space<vmem>>) offsets(%arg7 : memref<96xi32, #tpu.memory_space<vmem>>) semaphore(%arg20 : memref<!tpu.dma_semaphore, #tpu.memory_space<semaphore_mem>>)
    %dma_wait3A_62 = arith.constant 0 : i32
    %dma_wait3A_63 = tpu.memref_slice %arg3[%dma_wait3A_62] : memref<322560xi32, #tpu.memory_space<hbm>> -> memref<96xi32, #tpu.memory_space<hbm>>
    %dma_wait3A_64 = arith.constant 0 : i32
    %dma_wait3A_65 = tpu.memref_slice %arg3[%dma_wait3A_64] : memref<322560xi32, #tpu.memory_space<hbm>> -> memref<96xi32, #tpu.memory_space<hbm>>
    tpu.wait_dma2 semaphore(%arg18 : memref<!tpu.dma_semaphore, #tpu.memory_space<semaphore_mem>>) src(%dma_wait3A_65 : memref<96xi32, #tpu.memory_space<hbm>>) dst(%arg8 : memref<96xi32, #tpu.memory_space<vmem>>)
    %dma_wait3A_66 = arith.constant 0 : i32
    %dma_wait3A_67 = tpu.memref_slice %arg4[%dma_wait3A_66] : memref<322560xi32, #tpu.memory_space<hbm>> -> memref<96xi32, #tpu.memory_space<hbm>>
    %dma_wait3A_68 = arith.constant 0 : i32
    %dma_wait3A_69 = tpu.memref_slice %arg4[%dma_wait3A_68] : memref<322560xi32, #tpu.memory_space<hbm>> -> memref<96xi32, #tpu.memory_space<hbm>>
    tpu.wait_dma2 semaphore(%arg18 : memref<!tpu.dma_semaphore, #tpu.memory_space<semaphore_mem>>) src(%dma_wait3A_69 : memref<96xi32, #tpu.memory_space<hbm>>) dst(%arg11 : memref<96xi32, #tpu.memory_space<vmem>>)
    %dma_start3A_70 = arith.constant 0 : i32
    %dma_start3A_71 = arith.constant 0 : i32
    %dma_start3A_72 = tpu.memref_slice %arg2[%dma_start3A_70, %dma_start3A_71] : memref<10000x128xf32, #tpu.memory_space<hbm>> -> memref<10000x128xf32, #tpu.memory_space<hbm>>
    tpu.enqueue_indirect_dma source(%dma_start3A_72 : memref<10000x128xf32, #tpu.memory_space<hbm>>) target(%arg14 : memref<96x128xf32, #tpu.memory_space<vmem>>) offsets(%arg8 : memref<96xi32, #tpu.memory_space<vmem>>) semaphore(%arg21 : memref<!tpu.dma_semaphore, #tpu.memory_space<semaphore_mem>>)
    %scan3A_73 = arith.constant 0 : i32
    %scan3A_74 = arith.constant 0 : i32
    %scan3A_75 = arith.constant 35 : i32
    %scan3A_76 = arith.addi %scan3A_74, %scan3A_75 : i32
    %scan3A_77 = arith.constant 1 : i32
    scf.for %scan3A_100 = %scan3A_74 to %scan3A_76 step %scan3A_77  : i32 {
      %mul3A_101 = arith.constant 3 : i32
      %mul3A_102 = arith.muli %mul3A_101, %scan3A_100 : i32
      %add3A_103 = arith.constant 0 : i32
      %add3A_104 = arith.addi %mul3A_102, %add3A_103 : i32
      %dma_wait3A_105 = arith.constant 0 : i32
      %dma_wait3A_106 = arith.constant 0 : i32
      %dma_wait3A_107 = tpu.memref_slice %arg2[%dma_wait3A_105, %dma_wait3A_106] : memref<10000x128xf32, #tpu.memory_space<hbm>> -> memref<10000x128xf32, #tpu.memory_space<hbm>>
      tpu.wait_indirect_dma semaphore(%arg20 : memref<!tpu.dma_semaphore, #tpu.memory_space<semaphore_mem>>) src(%dma_wait3A_107 : memref<10000x128xf32, #tpu.memory_space<hbm>>) dst(%arg13 : memref<96x128xf32, #tpu.memory_space<vmem>>)
      "tpu.region"() ({
        %run_scoped3A_207 = tpu.sem_alloc : memref<!tpu.dma_semaphore, #tpu.memory_space<semaphore_mem>>
        %dma_start3A_208 = arith.constant 0 : i32
        %dma_start3A_209 = arith.constant 0 : i32
        %dma_start3A_210 = tpu.memref_slice %arg23[%dma_start3A_208, %dma_start3A_209] : memref<10016x128xf32, #tpu.memory_space<vmem_shared>> -> memref<10016x128xf32, #tpu.memory_space<vmem_shared>>
        tpu.enqueue_indirect_dma source(%arg13 : memref<96x128xf32, #tpu.memory_space<vmem>>) target(%dma_start3A_210 : memref<10016x128xf32, #tpu.memory_space<vmem_shared>>) offsets(%arg10 : memref<96xi32, #tpu.memory_space<vmem>>) semaphore(%run_scoped3A_207 : memref<!tpu.dma_semaphore, #tpu.memory_space<semaphore_mem>>) {add = true}
        %dma_wait3A_211 = arith.constant 0 : i32
        %dma_wait3A_212 = arith.constant 0 : i32
        %dma_wait3A_213 = tpu.memref_slice %arg23[%dma_wait3A_211, %dma_wait3A_212] : memref<10016x128xf32, #tpu.memory_space<vmem_shared>> -> memref<10016x128xf32, #tpu.memory_space<vmem_shared>>
        tpu.wait_indirect_dma semaphore(%run_scoped3A_207 : memref<!tpu.dma_semaphore, #tpu.memory_space<semaphore_mem>>) src(%arg13 : memref<96x128xf32, #tpu.memory_space<vmem>>) dst(%dma_wait3A_213 : memref<10016x128xf32, #tpu.memory_space<vmem_shared>>)
        tpu.yield
      }) : () -> ()
      %scan3A_108 = arith.constant 0 : i32
      %scan3A_109 = arith.constant 0 : i32
      %scan3A_110 = arith.constant 6 : i32
      %scan3A_111 = arith.addi %scan3A_109, %scan3A_110 : i32
      %scan3A_112 = arith.constant 1 : i32
      scf.for %scan3A_207 = %scan3A_109 to %scan3A_111 step %scan3A_112  : i32 {
        %mul3A_208 = arith.constant 16 : i32
        %mul3A_209 = arith.muli %scan3A_207, %mul3A_208 : i32
        %get3A = arith.index_cast %mul3A_209 : i32 to index
        %get3A_210 = tpu.vector_load %arg10[%get3A] {strides = array<i32>} : memref<96xi32, #tpu.memory_space<vmem>>, vector<16xi32>,
        tpu.vector_store_idx %arg16[%get3A_210], %broadcast_in_dim3A_28 {add = true} : memref<10016xf32, #tpu.memory_space<vmem>>[vector<16xi32>], vector<16xf32>,
      }
      %scan3A_113 = arith.constant 6 : i32
      %add3A_114 = arith.constant 3 : i32
      %add3A_115 = arith.addi %add3A_104, %add3A_114 : i32
      %min3A = arith.constant 104 : i32
      %min3A_116 = arith.minsi %add3A_115, %min3A : i32
      %mul3A_117 = arith.constant 10080 : i32
      %mul3A_118 = arith.muli %add3A, %mul3A_117 : i32
      %mul3A_119 = arith.constant 96 : i32
      %mul3A_120 = arith.muli %min3A_116, %mul3A_119 : i32
      %add3A_121 = arith.addi %mul3A_118, %mul3A_120 : i32
      %dma_start3A_122 = tpu.memref_slice %arg3[%add3A_121] : memref<322560xi32, #tpu.memory_space<hbm>> -> memref<96xi32, #tpu.memory_space<hbm>>
      %dma_start3A_123 = tpu.memref_slice %arg3[%add3A_121] : memref<322560xi32, #tpu.memory_space<hbm>> -> memref<96xi32, #tpu.memory_space<hbm>>
      tpu.enqueue_dma source(%dma_start3A_123 : memref<96xi32, #tpu.memory_space<hbm>>) target(%arg7 : memref<96xi32, #tpu.memory_space<vmem>>) target_semaphore(%arg17 : memref<!tpu.dma_semaphore, #tpu.memory_space<semaphore_mem>>)
      %dma_start3A_124 = tpu.memref_slice %arg4[%add3A_121] : memref<322560xi32, #tpu.memory_space<hbm>> -> memref<96xi32, #tpu.memory_space<hbm>>
      %dma_start3A_125 = tpu.memref_slice %arg4[%add3A_121] : memref<322560xi32, #tpu.memory_space<hbm>> -> memref<96xi32, #tpu.memory_space<hbm>>
      tpu.enqueue_dma source(%dma_start3A_125 : memref<96xi32, #tpu.memory_space<hbm>>) target(%arg10 : memref<96xi32, #tpu.memory_space<vmem>>) target_semaphore(%arg17 : memref<!tpu.dma_semaphore, #tpu.memory_space<semaphore_mem>>)
      %dma_wait3A_126 = arith.constant 0 : i32
      %dma_wait3A_127 = tpu.memref_slice %arg3[%dma_wait3A_126] : memref<322560xi32, #tpu.memory_space<hbm>> -> memref<96xi32, #tpu.memory_space<hbm>>
      %dma_wait3A_128 = arith.constant 0 : i32
      %dma_wait3A_129 = tpu.memref_slice %arg3[%dma_wait3A_128] : memref<322560xi32, #tpu.memory_space<hbm>> -> memref<96xi32, #tpu.memory_space<hbm>>
      tpu.wait_dma2 semaphore(%arg19 : memref<!tpu.dma_semaphore, #tpu.memory_space<semaphore_mem>>) src(%dma_wait3A_129 : memref<96xi32, #tpu.memory_space<hbm>>) dst(%arg9 : memref<96xi32, #tpu.memory_space<vmem>>)
      %dma_wait3A_130 = arith.constant 0 : i32
      %dma_wait3A_131 = tpu.memref_slice %arg4[%dma_wait3A_130] : memref<322560xi32, #tpu.memory_space<hbm>> -> memref<96xi32, #tpu.memory_space<hbm>>
      %dma_wait3A_132 = arith.constant 0 : i32
      %dma_wait3A_133 = tpu.memref_slice %arg4[%dma_wait3A_132] : memref<322560xi32, #tpu.memory_space<hbm>> -> memref<96xi32, #tpu.memory_space<hbm>>
      tpu.wait_dma2 semaphore(%arg19 : memref<!tpu.dma_semaphore, #tpu.memory_space<semaphore_mem>>) src(%dma_wait3A_133 : memref<96xi32, #tpu.memory_space<hbm>>) dst(%arg12 : memref<96xi32, #tpu.memory_space<vmem>>)
      %dma_start3A_134 = arith.constant 0 : i32
      %dma_start3A_135 = arith.constant 0 : i32
      %dma_start3A_136 = tpu.memref_slice %arg2[%dma_start3A_134, %dma_start3A_135] : memref<10000x128xf32, #tpu.memory_space<hbm>> -> memref<10000x128xf32, #tpu.memory_space<hbm>>
      tpu.enqueue_indirect_dma source(%dma_start3A_136 : memref<10000x128xf32, #tpu.memory_space<hbm>>) target(%arg15 : memref<96x128xf32, #tpu.memory_space<vmem>>) offsets(%arg9 : memref<96xi32, #tpu.memory_space<vmem>>) semaphore(%arg22 : memref<!tpu.dma_semaphore, #tpu.memory_space<semaphore_mem>>)
      %add3A_137 = arith.constant 1 : i32
      %add3A_138 = arith.addi %mul3A_102, %add3A_137 : i32
      %dma_wait3A_139 = arith.constant 0 : i32
      %dma_wait3A_140 = arith.constant 0 : i32
      %dma_wait3A_141 = tpu.memref_slice %arg2[%dma_wait3A_139, %dma_wait3A_140] : memref<10000x128xf32, #tpu.memory_space<hbm>> -> memref<10000x128xf32, #tpu.memory_space<hbm>>
      tpu.wait_indirect_dma semaphore(%arg21 : memref<!tpu.dma_semaphore, #tpu.memory_space<semaphore_mem>>) src(%dma_wait3A_141 : memref<10000x128xf32, #tpu.memory_space<hbm>>) dst(%arg14 : memref<96x128xf32, #tpu.memory_space<vmem>>)
      "tpu.region"() ({
        %run_scoped3A_207 = tpu.sem_alloc : memref<!tpu.dma_semaphore, #tpu.memory_space<semaphore_mem>>
        %dma_start3A_208 = arith.constant 0 : i32
        %dma_start3A_209 = arith.constant 0 : i32
        %dma_start3A_210 = tpu.memref_slice %arg23[%dma_start3A_208, %dma_start3A_209] : memref<10016x128xf32, #tpu.memory_space<vmem_shared>> -> memref<10016x128xf32, #tpu.memory_space<vmem_shared>>
        tpu.enqueue_indirect_dma source(%arg14 : memref<96x128xf32, #tpu.memory_space<vmem>>) target(%dma_start3A_210 : memref<10016x128xf32, #tpu.memory_space<vmem_shared>>) offsets(%arg11 : memref<96xi32, #tpu.memory_space<vmem>>) semaphore(%run_scoped3A_207 : memref<!tpu.dma_semaphore, #tpu.memory_space<semaphore_mem>>) {add = true}
        %dma_wait3A_211 = arith.constant 0 : i32
        %dma_wait3A_212 = arith.constant 0 : i32
        %dma_wait3A_213 = tpu.memref_slice %arg23[%dma_wait3A_211, %dma_wait3A_212] : memref<10016x128xf32, #tpu.memory_space<vmem_shared>> -> memref<10016x128xf32, #tpu.memory_space<vmem_shared>>
        tpu.wait_indirect_dma semaphore(%run_scoped3A_207 : memref<!tpu.dma_semaphore, #tpu.memory_space<semaphore_mem>>) src(%arg14 : memref<96x128xf32, #tpu.memory_space<vmem>>) dst(%dma_wait3A_213 : memref<10016x128xf32, #tpu.memory_space<vmem_shared>>)
        tpu.yield
      }) : () -> ()
      %scan3A_142 = arith.constant 0 : i32
      %scan3A_143 = arith.constant 0 : i32
      %scan3A_144 = arith.constant 6 : i32
      %scan3A_145 = arith.addi %scan3A_143, %scan3A_144 : i32
      %scan3A_146 = arith.constant 1 : i32
      scf.for %scan3A_207 = %scan3A_143 to %scan3A_145 step %scan3A_146  : i32 {
        %mul3A_208 = arith.constant 16 : i32
        %mul3A_209 = arith.muli %scan3A_207, %mul3A_208 : i32
        %get3A = arith.index_cast %mul3A_209 : i32 to index
        %get3A_210 = tpu.vector_load %arg11[%get3A] {strides = array<i32>} : memref<96xi32, #tpu.memory_space<vmem>>, vector<16xi32>,
        tpu.vector_store_idx %arg16[%get3A_210], %broadcast_in_dim3A_28 {add = true} : memref<10016xf32, #tpu.memory_space<vmem>>[vector<16xi32>], vector<16xf32>,
      }
      %scan3A_147 = arith.constant 6 : i32
      %add3A_148 = arith.constant 3 : i32
      %add3A_149 = arith.addi %add3A_138, %add3A_148 : i32
      %min3A_150 = arith.constant 104 : i32
      %min3A_151 = arith.minsi %add3A_149, %min3A_150 : i32
      %mul3A_152 = arith.constant 10080 : i32
      %mul3A_153 = arith.muli %add3A, %mul3A_152 : i32
      %mul3A_154 = arith.constant 96 : i32
      %mul3A_155 = arith.muli %min3A_151, %mul3A_154 : i32
      %add3A_156 = arith.addi %mul3A_153, %mul3A_155 : i32
      %dma_start3A_157 = tpu.memref_slice %arg3[%add3A_156] : memref<322560xi32, #tpu.memory_space<hbm>> -> memref<96xi32, #tpu.memory_space<hbm>>
      %dma_start3A_158 = tpu.memref_slice %arg3[%add3A_156] : memref<322560xi32, #tpu.memory_space<hbm>> -> memref<96xi32, #tpu.memory_space<hbm>>
      tpu.enqueue_dma source(%dma_start3A_158 : memref<96xi32, #tpu.memory_space<hbm>>) target(%arg8 : memref<96xi32, #tpu.memory_space<vmem>>) target_semaphore(%arg18 : memref<!tpu.dma_semaphore, #tpu.memory_space<semaphore_mem>>)
      %dma_start3A_159 = tpu.memref_slice %arg4[%add3A_156] : memref<322560xi32, #tpu.memory_space<hbm>> -> memref<96xi32, #tpu.memory_space<hbm>>
      %dma_start3A_160 = tpu.memref_slice %arg4[%add3A_156] : memref<322560xi32, #tpu.memory_space<hbm>> -> memref<96xi32, #tpu.memory_space<hbm>>
      tpu.enqueue_dma source(%dma_start3A_160 : memref<96xi32, #tpu.memory_space<hbm>>) target(%arg11 : memref<96xi32, #tpu.memory_space<vmem>>) target_semaphore(%arg18 : memref<!tpu.dma_semaphore, #tpu.memory_space<semaphore_mem>>)
      %dma_wait3A_161 = arith.constant 0 : i32
      %dma_wait3A_162 = tpu.memref_slice %arg3[%dma_wait3A_161] : memref<322560xi32, #tpu.memory_space<hbm>> -> memref<96xi32, #tpu.memory_space<hbm>>
      %dma_wait3A_163 = arith.constant 0 : i32
      %dma_wait3A_164 = tpu.memref_slice %arg3[%dma_wait3A_163] : memref<322560xi32, #tpu.memory_space<hbm>> -> memref<96xi32, #tpu.memory_space<hbm>>
      tpu.wait_dma2 semaphore(%arg17 : memref<!tpu.dma_semaphore, #tpu.memory_space<semaphore_mem>>) src(%dma_wait3A_164 : memref<96xi32, #tpu.memory_space<hbm>>) dst(%arg7 : memref<96xi32, #tpu.memory_space<vmem>>)
      %dma_wait3A_165 = arith.constant 0 : i32
      %dma_wait3A_166 = tpu.memref_slice %arg4[%dma_wait3A_165] : memref<322560xi32, #tpu.memory_space<hbm>> -> memref<96xi32, #tpu.memory_space<hbm>>
      %dma_wait3A_167 = arith.constant 0 : i32
      %dma_wait3A_168 = tpu.memref_slice %arg4[%dma_wait3A_167] : memref<322560xi32, #tpu.memory_space<hbm>> -> memref<96xi32, #tpu.memory_space<hbm>>
      tpu.wait_dma2 semaphore(%arg17 : memref<!tpu.dma_semaphore, #tpu.memory_space<semaphore_mem>>) src(%dma_wait3A_168 : memref<96xi32, #tpu.memory_space<hbm>>) dst(%arg10 : memref<96xi32, #tpu.memory_space<vmem>>)
      %dma_start3A_169 = arith.constant 0 : i32
      %dma_start3A_170 = arith.constant 0 : i32
      %dma_start3A_171 = tpu.memref_slice %arg2[%dma_start3A_169, %dma_start3A_170] : memref<10000x128xf32, #tpu.memory_space<hbm>> -> memref<10000x128xf32, #tpu.memory_space<hbm>>
      tpu.enqueue_indirect_dma source(%dma_start3A_171 : memref<10000x128xf32, #tpu.memory_space<hbm>>) target(%arg13 : memref<96x128xf32, #tpu.memory_space<vmem>>) offsets(%arg7 : memref<96xi32, #tpu.memory_space<vmem>>) semaphore(%arg20 : memref<!tpu.dma_semaphore, #tpu.memory_space<semaphore_mem>>)
      %add3A_172 = arith.constant 2 : i32
      %add3A_173 = arith.addi %mul3A_102, %add3A_172 : i32
      %dma_wait3A_174 = arith.constant 0 : i32
      %dma_wait3A_175 = arith.constant 0 : i32
      %dma_wait3A_176 = tpu.memref_slice %arg2[%dma_wait3A_174, %dma_wait3A_175] : memref<10000x128xf32, #tpu.memory_space<hbm>> -> memref<10000x128xf32, #tpu.memory_space<hbm>>
      tpu.wait_indirect_dma semaphore(%arg22 : memref<!tpu.dma_semaphore, #tpu.memory_space<semaphore_mem>>) src(%dma_wait3A_176 : memref<10000x128xf32, #tpu.memory_space<hbm>>) dst(%arg15 : memref<96x128xf32, #tpu.memory_space<vmem>>)
      "tpu.region"() ({
        %run_scoped3A_207 = tpu.sem_alloc : memref<!tpu.dma_semaphore, #tpu.memory_space<semaphore_mem>>
        %dma_start3A_208 = arith.constant 0 : i32
        %dma_start3A_209 = arith.constant 0 : i32
        %dma_start3A_210 = tpu.memref_slice %arg23[%dma_start3A_208, %dma_start3A_209] : memref<10016x128xf32, #tpu.memory_space<vmem_shared>> -> memref<10016x128xf32, #tpu.memory_space<vmem_shared>>
        tpu.enqueue_indirect_dma source(%arg15 : memref<96x128xf32, #tpu.memory_space<vmem>>) target(%dma_start3A_210 : memref<10016x128xf32, #tpu.memory_space<vmem_shared>>) offsets(%arg12 : memref<96xi32, #tpu.memory_space<vmem>>) semaphore(%run_scoped3A_207 : memref<!tpu.dma_semaphore, #tpu.memory_space<semaphore_mem>>) {add = true}
        %dma_wait3A_211 = arith.constant 0 : i32
        %dma_wait3A_212 = arith.constant 0 : i32
        %dma_wait3A_213 = tpu.memref_slice %arg23[%dma_wait3A_211, %dma_wait3A_212] : memref<10016x128xf32, #tpu.memory_space<vmem_shared>> -> memref<10016x128xf32, #tpu.memory_space<vmem_shared>>
        tpu.wait_indirect_dma semaphore(%run_scoped3A_207 : memref<!tpu.dma_semaphore, #tpu.memory_space<semaphore_mem>>) src(%arg15 : memref<96x128xf32, #tpu.memory_space<vmem>>) dst(%dma_wait3A_213 : memref<10016x128xf32, #tpu.memory_space<vmem_shared>>)
        tpu.yield
      }) : () -> ()
      %scan3A_177 = arith.constant 0 : i32
      %scan3A_178 = arith.constant 0 : i32
      %scan3A_179 = arith.constant 6 : i32
      %scan3A_180 = arith.addi %scan3A_178, %scan3A_179 : i32
      %scan3A_181 = arith.constant 1 : i32
      scf.for %scan3A_207 = %scan3A_178 to %scan3A_180 step %scan3A_181  : i32 {
        %mul3A_208 = arith.constant 16 : i32
        %mul3A_209 = arith.muli %scan3A_207, %mul3A_208 : i32
        %get3A = arith.index_cast %mul3A_209 : i32 to index
        %get3A_210 = tpu.vector_load %arg12[%get3A] {strides = array<i32>} : memref<96xi32, #tpu.memory_space<vmem>>, vector<16xi32>,
        tpu.vector_store_idx %arg16[%get3A_210], %broadcast_in_dim3A_28 {add = true} : memref<10016xf32, #tpu.memory_space<vmem>>[vector<16xi32>], vector<16xf32>,
      }
      %scan3A_182 = arith.constant 6 : i32
      %add3A_183 = arith.constant 3 : i32
      %add3A_184 = arith.addi %add3A_173, %add3A_183 : i32
      %min3A_185 = arith.constant 104 : i32
      %min3A_186 = arith.minsi %add3A_184, %min3A_185 : i32
      %mul3A_187 = arith.constant 10080 : i32
      %mul3A_188 = arith.muli %add3A, %mul3A_187 : i32
      %mul3A_189 = arith.constant 96 : i32
      %mul3A_190 = arith.muli %min3A_186, %mul3A_189 : i32
      %add3A_191 = arith.addi %mul3A_188, %mul3A_190 : i32
      %dma_start3A_192 = tpu.memref_slice %arg3[%add3A_191] : memref<322560xi32, #tpu.memory_space<hbm>> -> memref<96xi32, #tpu.memory_space<hbm>>
      %dma_start3A_193 = tpu.memref_slice %arg3[%add3A_191] : memref<322560xi32, #tpu.memory_space<hbm>> -> memref<96xi32, #tpu.memory_space<hbm>>
      tpu.enqueue_dma source(%dma_start3A_193 : memref<96xi32, #tpu.memory_space<hbm>>) target(%arg9 : memref<96xi32, #tpu.memory_space<vmem>>) target_semaphore(%arg19 : memref<!tpu.dma_semaphore, #tpu.memory_space<semaphore_mem>>)
      %dma_start3A_194 = tpu.memref_slice %arg4[%add3A_191] : memref<322560xi32, #tpu.memory_space<hbm>> -> memref<96xi32, #tpu.memory_space<hbm>>
      %dma_start3A_195 = tpu.memref_slice %arg4[%add3A_191] : memref<322560xi32, #tpu.memory_space<hbm>> -> memref<96xi32, #tpu.memory_space<hbm>>
      tpu.enqueue_dma source(%dma_start3A_195 : memref<96xi32, #tpu.memory_space<hbm>>) target(%arg12 : memref<96xi32, #tpu.memory_space<vmem>>) target_semaphore(%arg19 : memref<!tpu.dma_semaphore, #tpu.memory_space<semaphore_mem>>)
      %dma_wait3A_196 = arith.constant 0 : i32
      %dma_wait3A_197 = tpu.memref_slice %arg3[%dma_wait3A_196] : memref<322560xi32, #tpu.memory_space<hbm>> -> memref<96xi32, #tpu.memory_space<hbm>>
      %dma_wait3A_198 = arith.constant 0 : i32
      %dma_wait3A_199 = tpu.memref_slice %arg3[%dma_wait3A_198] : memref<322560xi32, #tpu.memory_space<hbm>> -> memref<96xi32, #tpu.memory_space<hbm>>
      tpu.wait_dma2 semaphore(%arg18 : memref<!tpu.dma_semaphore, #tpu.memory_space<semaphore_mem>>) src(%dma_wait3A_199 : memref<96xi32, #tpu.memory_space<hbm>>) dst(%arg8 : memref<96xi32, #tpu.memory_space<vmem>>)
      %dma_wait3A_200 = arith.constant 0 : i32
      %dma_wait3A_201 = tpu.memref_slice %arg4[%dma_wait3A_200] : memref<322560xi32, #tpu.memory_space<hbm>> -> memref<96xi32, #tpu.memory_space<hbm>>
      %dma_wait3A_202 = arith.constant 0 : i32
      %dma_wait3A_203 = tpu.memref_slice %arg4[%dma_wait3A_202] : memref<322560xi32, #tpu.memory_space<hbm>> -> memref<96xi32, #tpu.memory_space<hbm>>
      tpu.wait_dma2 semaphore(%arg18 : memref<!tpu.dma_semaphore, #tpu.memory_space<semaphore_mem>>) src(%dma_wait3A_203 : memref<96xi32, #tpu.memory_space<hbm>>) dst(%arg11 : memref<96xi32, #tpu.memory_space<vmem>>)
      %dma_start3A_204 = arith.constant 0 : i32
      %dma_start3A_205 = arith.constant 0 : i32
      %dma_start3A_206 = tpu.memref_slice %arg2[%dma_start3A_204, %dma_start3A_205] : memref<10000x128xf32, #tpu.memory_space<hbm>> -> memref<10000x128xf32, #tpu.memory_space<hbm>>
      tpu.enqueue_indirect_dma source(%dma_start3A_206 : memref<10000x128xf32, #tpu.memory_space<hbm>>) target(%arg14 : memref<96x128xf32, #tpu.memory_space<vmem>>) offsets(%arg8 : memref<96xi32, #tpu.memory_space<vmem>>) semaphore(%arg21 : memref<!tpu.dma_semaphore, #tpu.memory_space<semaphore_mem>>)
    }
    %scan3A_78 = arith.constant 35 : i32
    %dma_wait3A_79 = arith.constant 0 : i32
    %dma_wait3A_80 = arith.constant 0 : i32
    %dma_wait3A_81 = tpu.memref_slice %arg2[%dma_wait3A_79, %dma_wait3A_80] : memref<10000x128xf32, #tpu.memory_space<hbm>> -> memref<10000x128xf32, #tpu.memory_space<hbm>>
    tpu.wait_indirect_dma semaphore(%arg20 : memref<!tpu.dma_semaphore, #tpu.memory_space<semaphore_mem>>) src(%dma_wait3A_81 : memref<10000x128xf32, #tpu.memory_space<hbm>>) dst(%arg13 : memref<96x128xf32, #tpu.memory_space<vmem>>)
    %dma_wait3A_82 = arith.constant 0 : i32
    %dma_wait3A_83 = arith.constant 0 : i32
    %dma_wait3A_84 = tpu.memref_slice %arg2[%dma_wait3A_82, %dma_wait3A_83] : memref<10000x128xf32, #tpu.memory_space<hbm>> -> memref<10000x128xf32, #tpu.memory_space<hbm>>
    tpu.wait_indirect_dma semaphore(%arg21 : memref<!tpu.dma_semaphore, #tpu.memory_space<semaphore_mem>>) src(%dma_wait3A_84 : memref<10000x128xf32, #tpu.memory_space<hbm>>) dst(%arg14 : memref<96x128xf32, #tpu.memory_space<vmem>>)
    %dma_wait3A_85 = arith.constant 0 : i32
    %dma_wait3A_86 = tpu.memref_slice %arg3[%dma_wait3A_85] : memref<322560xi32, #tpu.memory_space<hbm>> -> memref<96xi32, #tpu.memory_space<hbm>>
    %dma_wait3A_87 = arith.constant 0 : i32
    %dma_wait3A_88 = tpu.memref_slice %arg3[%dma_wait3A_87] : memref<322560xi32, #tpu.memory_space<hbm>> -> memref<96xi32, #tpu.memory_space<hbm>>
    tpu.wait_dma2 semaphore(%arg19 : memref<!tpu.dma_semaphore, #tpu.memory_space<semaphore_mem>>) src(%dma_wait3A_88 : memref<96xi32, #tpu.memory_space<hbm>>) dst(%arg9 : memref<96xi32, #tpu.memory_space<vmem>>)
    %dma_wait3A_89 = arith.constant 0 : i32
    %dma_wait3A_90 = tpu.memref_slice %arg4[%dma_wait3A_89] : memref<322560xi32, #tpu.memory_space<hbm>> -> memref<96xi32, #tpu.memory_space<hbm>>
    %dma_wait3A_91 = arith.constant 0 : i32
    %dma_wait3A_92 = tpu.memref_slice %arg4[%dma_wait3A_91] : memref<322560xi32, #tpu.memory_space<hbm>> -> memref<96xi32, #tpu.memory_space<hbm>>
    tpu.wait_dma2 semaphore(%arg19 : memref<!tpu.dma_semaphore, #tpu.memory_space<semaphore_mem>>) src(%dma_wait3A_92 : memref<96xi32, #tpu.memory_space<hbm>>) dst(%arg12 : memref<96xi32, #tpu.memory_space<vmem>>)
    %barrier3A_93 = arith.constant 0 : index
    tpu.barrier barrier_id(%barrier3A_93)
    %mul3A_94 = arith.constant 624 : i32
    %mul3A_95 = arith.muli %arg1, %mul3A_94 : i32
    %mul3A_96 = arith.constant 624 : i32
    %mul3A_97 = arith.muli %arg1, %mul3A_96 : i32
    "tpu.region"() ({
      %run_scoped3A_100 = tpu.sem_alloc : memref<!tpu.dma_semaphore, #tpu.memory_space<semaphore_mem>>
      %dma_start3A_101 = arith.constant 0 : i32
      %dma_start3A_102 = tpu.memref_slice %arg5[%arg0, %mul3A_97, %dma_start3A_101] : memref<2x10000x128xf32, #tpu.memory_space<hbm>> -> memref<1x624x128xf32, #tpu.memory_space<hbm>>
      %dma_start3A_103 = tpu.memref_squeeze %dma_start3A_102 : memref<1x624x128xf32, #tpu.memory_space<hbm>> -> memref<624x128xf32, #tpu.memory_space<hbm>>
      %dma_start3A_104 = arith.constant 0 : i32
      %dma_start3A_105 = tpu.memref_slice %arg23[%mul3A_95, %dma_start3A_104] : memref<10016x128xf32, #tpu.memory_space<vmem_shared>> -> memref<624x128xf32, #tpu.memory_space<vmem_shared>>
      tpu.enqueue_dma source(%dma_start3A_105 : memref<624x128xf32, #tpu.memory_space<vmem_shared>>) target(%dma_start3A_103 : memref<624x128xf32, #tpu.memory_space<hbm>>) target_semaphore(%run_scoped3A_100 : memref<!tpu.dma_semaphore, #tpu.memory_space<semaphore_mem>>)
      %dma_wait3A_106 = arith.constant 0 : i32
      %dma_wait3A_107 = tpu.memref_slice %arg5[%arg0, %mul3A_97, %dma_wait3A_106] : memref<2x10000x128xf32, #tpu.memory_space<hbm>> -> memref<1x624x128xf32, #tpu.memory_space<hbm>>
      %dma_wait3A_108 = tpu.memref_squeeze %dma_wait3A_107 : memref<1x624x128xf32, #tpu.memory_space<hbm>> -> memref<624x128xf32, #tpu.memory_space<hbm>>
      %dma_wait3A_109 = arith.constant 0 : i32
      %dma_wait3A_110 = tpu.memref_slice %arg23[%mul3A_95, %dma_wait3A_109] : memref<10016x128xf32, #tpu.memory_space<vmem_shared>> -> memref<624x128xf32, #tpu.memory_space<vmem_shared>>
      tpu.wait_dma2 semaphore(%run_scoped3A_100 : memref<!tpu.dma_semaphore, #tpu.memory_space<semaphore_mem>>) src(%dma_wait3A_110 : memref<624x128xf32, #tpu.memory_space<vmem_shared>>) dst(%dma_wait3A_108 : memref<624x128xf32, #tpu.memory_space<hbm>>)
      tpu.yield
    }) : () -> ()
    %eq3A = arith.constant 1 : i32
    %eq3A_98 = arith.cmpi eq, %arg1, %eq3A : i32
    %convert_element_type3A = arith.extui %eq3A_98 : i1 to i32
    %cond3A = arith.constant 0 : i32
    %cond3A_99 = arith.cmpi ne, %convert_element_type3A, %cond3A : i32
    scf.if %cond3A_99 {
      "tpu.region"() ({
        %run_scoped3A_100 = tpu.sem_alloc : memref<!tpu.dma_semaphore, #tpu.memory_space<semaphore_mem>>
        %dma_start3A_101 = arith.constant 9984 : i32
        %dma_start3A_102 = arith.constant 0 : i32
        %dma_start3A_103 = tpu.memref_slice %arg5[%arg0, %dma_start3A_101, %dma_start3A_102] : memref<2x10000x128xf32, #tpu.memory_space<hbm>> -> memref<1x16x128xf32, #tpu.memory_space<hbm>>
        %dma_start3A_104 = tpu.memref_squeeze %dma_start3A_103 : memref<1x16x128xf32, #tpu.memory_space<hbm>> -> memref<16x128xf32, #tpu.memory_space<hbm>>
        %dma_start3A_105 = arith.constant 9984 : i32
        %dma_start3A_106 = arith.constant 0 : i32
        %dma_start3A_107 = tpu.memref_slice %arg23[%dma_start3A_105, %dma_start3A_106] : memref<10016x128xf32, #tpu.memory_space<vmem_shared>> -> memref<16x128xf32, #tpu.memory_space<vmem_shared>>
        tpu.enqueue_dma source(%dma_start3A_107 : memref<16x128xf32, #tpu.memory_space<vmem_shared>>) target(%dma_start3A_104 : memref<16x128xf32, #tpu.memory_space<hbm>>) target_semaphore(%run_scoped3A_100 : memref<!tpu.dma_semaphore, #tpu.memory_space<semaphore_mem>>)
        %dma_wait3A_108 = arith.constant 9984 : i32
        %dma_wait3A_109 = arith.constant 0 : i32
        %dma_wait3A_110 = tpu.memref_slice %arg5[%arg0, %dma_wait3A_108, %dma_wait3A_109] : memref<2x10000x128xf32, #tpu.memory_space<hbm>> -> memref<1x16x128xf32, #tpu.memory_space<hbm>>
        %dma_wait3A_111 = tpu.memref_squeeze %dma_wait3A_110 : memref<1x16x128xf32, #tpu.memory_space<hbm>> -> memref<16x128xf32, #tpu.memory_space<hbm>>
        %dma_wait3A_112 = arith.constant 9984 : i32
        %dma_wait3A_113 = arith.constant 0 : i32
        %dma_wait3A_114 = tpu.memref_slice %arg23[%dma_wait3A_112, %dma_wait3A_113] : memref<10016x128xf32, #tpu.memory_space<vmem_shared>> -> memref<16x128xf32, #tpu.memory_space<vmem_shared>>
        tpu.wait_dma2 semaphore(%run_scoped3A_100 : memref<!tpu.dma_semaphore, #tpu.memory_space<semaphore_mem>>) src(%dma_wait3A_114 : memref<16x128xf32, #tpu.memory_space<vmem_shared>>) dst(%dma_wait3A_111 : memref<16x128xf32, #tpu.memory_space<hbm>>)
        tpu.yield
      }) : () -> ()
    } else {
    }
    %run_scoped3A = arith.constant 0 : i32
    "tpu.region"() ({
      %run_scoped3A_100 = tpu.sem_alloc : memref<!tpu.dma_semaphore, #tpu.memory_space<semaphore_mem>>
      %dma_start3A_101 = arith.constant 0 : i32
      %dma_start3A_102 = tpu.memref_slice %arg16[%dma_start3A_101] : memref<10016xf32, #tpu.memory_space<vmem>> -> memref<10000xf32, #tpu.memory_space<vmem>>
      %dma_start3A_103 = arith.constant 0 : i32
      %dma_start3A_104 = tpu.memref_slice %arg6[%add3A, %run_scoped3A, %dma_start3A_103] : memref<32x1x10000xf32, #tpu.memory_space<hbm>> -> memref<1x1x10000xf32, #tpu.memory_space<hbm>>
      %dma_start3A_105 = tpu.memref_squeeze %dma_start3A_104 : memref<1x1x10000xf32, #tpu.memory_space<hbm>> -> memref<10000xf32, #tpu.memory_space<hbm>>
      %dma_start3A_106 = arith.constant 0 : i32
      %dma_start3A_107 = tpu.memref_slice %arg6[%add3A, %run_scoped3A, %dma_start3A_106] : memref<32x1x10000xf32, #tpu.memory_space<hbm>> -> memref<1x1x10000xf32, #tpu.memory_space<hbm>>
      %dma_start3A_108 = tpu.memref_squeeze %dma_start3A_107 : memref<1x1x10000xf32, #tpu.memory_space<hbm>> -> memref<10000xf32, #tpu.memory_space<hbm>>
      %dma_start3A_109 = arith.constant 0 : i32
      %dma_start3A_110 = tpu.memref_slice %arg16[%dma_start3A_109] : memref<10016xf32, #tpu.memory_space<vmem>> -> memref<10000xf32, #tpu.memory_space<vmem>>
      tpu.enqueue_dma source(%dma_start3A_110 : memref<10000xf32, #tpu.memory_space<vmem>>) target(%dma_start3A_108 : memref<10000xf32, #tpu.memory_space<hbm>>) target_semaphore(%run_scoped3A_100 : memref<!tpu.dma_semaphore, #tpu.memory_space<semaphore_mem>>)
      %dma_wait3A_111 = arith.constant 0 : i32
      %dma_wait3A_112 = tpu.memref_slice %arg16[%dma_wait3A_111] : memref<10016xf32, #tpu.memory_space<vmem>> -> memref<10000xf32, #tpu.memory_space<vmem>>
      %dma_wait3A_113 = arith.constant 0 : i32
      %dma_wait3A_114 = tpu.memref_slice %arg6[%add3A, %run_scoped3A, %dma_wait3A_113] : memref<32x1x10000xf32, #tpu.memory_space<hbm>> -> memref<1x1x10000xf32, #tpu.memory_space<hbm>>
      %dma_wait3A_115 = tpu.memref_squeeze %dma_wait3A_114 : memref<1x1x10000xf32, #tpu.memory_space<hbm>> -> memref<10000xf32, #tpu.memory_space<hbm>>
      %dma_wait3A_116 = arith.constant 0 : i32
      %dma_wait3A_117 = tpu.memref_slice %arg6[%add3A, %run_scoped3A, %dma_wait3A_116] : memref<32x1x10000xf32, #tpu.memory_space<hbm>> -> memref<1x1x10000xf32, #tpu.memory_space<hbm>>
      %dma_wait3A_118 = tpu.memref_squeeze %dma_wait3A_117 : memref<1x1x10000xf32, #tpu.memory_space<hbm>> -> memref<10000xf32, #tpu.memory_space<hbm>>
      %dma_wait3A_119 = arith.constant 0 : i32
      %dma_wait3A_120 = tpu.memref_slice %arg16[%dma_wait3A_119] : memref<10016xf32, #tpu.memory_space<vmem>> -> memref<10000xf32, #tpu.memory_space<vmem>>
      tpu.wait_dma2 semaphore(%run_scoped3A_100 : memref<!tpu.dma_semaphore, #tpu.memory_space<semaphore_mem>>) src(%dma_wait3A_120 : memref<10000xf32, #tpu.memory_space<vmem>>) dst(%dma_wait3A_118 : memref<10000xf32, #tpu.memory_space<hbm>>)
      tpu.yield
    }) : () -> ()
    return
  }
}

module attributes {stable_mosaic.version = 14 : i64} {
  func.func @body(%arg0: i32, %arg1: memref<1000x128xf32, #tpu.memory_space<vmem>>, %arg2: memref<128x128xf32, #tpu.memory_space<vmem>>, %arg3: memref<1x128xf32, #tpu.memory_space<vmem>>, %arg4: memref<1000x128xf32, #tpu.memory_space<vmem>>) attributes {dimension_semantics = [#tpu.dimension_semantics<arbitrary>], iteration_bounds = array<i64: 10>, scalar_prefetch = 0 : i64, scratch_operands = 0 : i64, tpu.core_type = #tpu.core_type<tc>, window_params = [{transform_indices = @transform_0, window_bounds = array<i64: 1000, 128>}, {pipeline_mode = #tpu.pipeline_mode<synchronous>, transform_indices = @transform_1, window_bounds = array<i64: 128, 128>}, {pipeline_mode = #tpu.pipeline_mode<synchronous>, transform_indices = @transform_2, window_bounds = array<i64: 1, 128>}, {transform_indices = @transform_3, window_bounds = array<i64: 1000, 128>}]} {
    %get3A = arith.constant 0 : index
    %get3A_0 = arith.constant 0 : index
    %get3A_1 = vector.load %arg1[%get3A, %get3A_0] : memref<1000x128xf32, #tpu.memory_space<vmem>>, vector<1000x128xf32>
    %get3A_2 = arith.constant 0 : index
    %get3A_3 = arith.constant 0 : index
    %get3A_4 = vector.load %arg2[%get3A_2, %get3A_3] : memref<128x128xf32, #tpu.memory_space<vmem>>, vector<128x128xf32>
    %dot_general3A = arith.constant dense<0.000000e+00> : vector<1000x128xf32>
    %dot_general3A_5 = tpu.matmul %get3A_1, %get3A_4, %dot_general3A {dimension_numbers = #tpu.dot_dimension_numbers<[1], [0], [0], [1], [0, 0, 1, 1], [], []>, transpose_lhs_hint = false} : vector<1000x128xf32>, vector<128x128xf32>, vector<1000x128xf32> -> vector<1000x128xf32>
    %get3A_6 = arith.constant 0 : index
    %get3A_7 = arith.constant 0 : index
    %get3A_8 = vector.load %arg3[%get3A_6, %get3A_7] : memref<1x128xf32, #tpu.memory_space<vmem>>, vector<1x128xf32>
    %add3A = vector.broadcast %get3A_8 : vector<1x128xf32> to vector<1000x128xf32>
    %add3A_9 = arith.addf %dot_general3A_5, %add3A : vector<1000x128xf32>
    %swap3A = arith.constant 0 : index
    %swap3A_10 = arith.constant 0 : index
    %swap3A_11 = vector.load %arg4[%swap3A, %swap3A_10] : memref<1000x128xf32, #tpu.memory_space<vmem>>, vector<1000x128xf32>
    tpu.vector_store %arg4[%swap3A, %swap3A_10], %add3A_9 {strides = array<i32>} : memref<1000x128xf32, #tpu.memory_space<vmem>>, vector<1000x128xf32>,
    return
  }
  func.func @transform_0(%arg0: i32) -> (i32, i32) {
    %c0_i32 = arith.constant 0 : i32
    %c0_i32_0 = arith.constant 0 : i32
    return %arg0, %c0_i32 : i32, i32
  }
  func.func @transform_1(%arg0: i32) -> (i32, i32) {
    %c0_i32 = arith.constant 0 : i32
    %c0_i32_0 = arith.constant 0 : i32
    %c0_i32_1 = arith.constant 0 : i32
    return %c0_i32, %c0_i32_0 : i32, i32
  }
  func.func @transform_2(%arg0: i32) -> (i32, i32) {
    %c0_i32 = arith.constant 0 : i32
    %c0_i32_0 = arith.constant 0 : i32
    %c0_i32_1 = arith.constant 0 : i32
    return %c0_i32, %c0_i32_0 : i32, i32
  }
  func.func @transform_3(%arg0: i32) -> (i32, i32) {
    %c0_i32 = arith.constant 0 : i32
    %c0_i32_0 = arith.constant 0 : i32
    return %arg0, %c0_i32 : i32, i32
  }
}

module attributes {stable_mosaic.version = 14 : i64} {
  func.func @body(%arg0: i32, %arg1: memref<1000x128xf32, #tpu.memory_space<vmem>>, %arg2: memref<2x1000x128xf32, #tpu.memory_space<vmem>>, %arg3: memref<1000x32xf32, #tpu.memory_space<vmem>>, %arg4: memref<128x128xf32, #tpu.memory_space<vmem>>, %arg5: memref<1000x128xf32, #tpu.memory_space<vmem>>) attributes {dimension_semantics = [#tpu.dimension_semantics<arbitrary>], iteration_bounds = array<i64: 10>, scalar_prefetch = 0 : i64, scratch_operands = 0 : i64, tpu.core_type = #tpu.core_type<tc>, window_params = [{transform_indices = @transform_0, window_bounds = array<i64: 1000, 128>}, {transform_indices = @transform_1, window_bounds = array<i64: 2, 1000, 128>}, {transform_indices = @transform_2, window_bounds = array<i64: 1000, 32>}, {pipeline_mode = #tpu.pipeline_mode<synchronous>, transform_indices = @transform_3, window_bounds = array<i64: 128, 128>}, {transform_indices = @transform_4, window_bounds = array<i64: 1000, 128>}]} {
    %get3A = arith.constant 0 : index
    %get3A_0 = arith.constant 0 : index
    %get3A_1 = vector.load %arg3[%get3A, %get3A_0] : memref<1000x32xf32, #tpu.memory_space<vmem>>, vector<1000x32xf32>
    %reduce_sum3A = arith.constant dense<0.000000e+00> : vector<1000xf32>
    %reduce_sum3A_2 = vector.multi_reduction <add>, %get3A_1, %reduce_sum3A [1] : vector<1000x32xf32> to vector<1000xf32>
    %max3A = arith.constant 1.000000e+00 : f32
    %max3A_3 = vector.broadcast %max3A : f32 to vector<1000xf32>
    %max3A_4 = arith.maximumf %reduce_sum3A_2, %max3A_3 : vector<1000xf32>
    %div3A = arith.constant 1.000000e+00 : f32
    %div3A_5 = vector.broadcast %div3A : f32 to vector<1000xf32>
    %div3A_6 = arith.divf %div3A_5, %max3A_4 : vector<1000xf32>
    %get3A_7 = arith.constant 0 : index
    %get3A_8 = arith.constant 0 : index
    %get3A_9 = arith.constant 0 : index
    %get3A_10 = vector.load %arg2[%get3A_7, %get3A_8, %get3A_9] : memref<2x1000x128xf32, #tpu.memory_space<vmem>>, vector<1x1000x128xf32>
    %get3A_11 = vector.shape_cast %get3A_10 : vector<1x1000x128xf32> to vector<1000x128xf32>
    %get3A_12 = arith.constant 1 : index
    %get3A_13 = arith.constant 0 : index
    %get3A_14 = arith.constant 0 : index
    %get3A_15 = vector.load %arg2[%get3A_12, %get3A_13, %get3A_14] : memref<2x1000x128xf32, #tpu.memory_space<vmem>>, vector<1x1000x128xf32>
    %get3A_16 = vector.shape_cast %get3A_15 : vector<1x1000x128xf32> to vector<1000x128xf32>
    %add3A = arith.addf %get3A_11, %get3A_16 : vector<1000x128xf32>
    %broadcast_in_dim3A = vector.shape_cast %div3A_6 : vector<1000xf32> to vector<1000x1xf32>
    %mul3A = vector.broadcast %broadcast_in_dim3A : vector<1000x1xf32> to vector<1000x128xf32>
    %mul3A_17 = arith.mulf %add3A, %mul3A : vector<1000x128xf32>
    %get3A_18 = arith.constant 0 : index
    %get3A_19 = arith.constant 0 : index
    %get3A_20 = vector.load %arg1[%get3A_18, %get3A_19] : memref<1000x128xf32, #tpu.memory_space<vmem>>, vector<1000x128xf32>
    %get3A_21 = arith.constant 0 : index
    %get3A_22 = arith.constant 0 : index
    %get3A_23 = vector.load %arg4[%get3A_21, %get3A_22] : memref<128x128xf32, #tpu.memory_space<vmem>>, vector<128x128xf32>
    %dot_general3A = arith.constant dense<0.000000e+00> : vector<1000x128xf32>
    %dot_general3A_24 = tpu.matmul %mul3A_17, %get3A_23, %dot_general3A {dimension_numbers = #tpu.dot_dimension_numbers<[1], [0], [0], [1], [0, 0, 1, 1], [], []>, transpose_lhs_hint = false} : vector<1000x128xf32>, vector<128x128xf32>, vector<1000x128xf32> -> vector<1000x128xf32>
    %add3A_25 = arith.addf %get3A_20, %dot_general3A_24 : vector<1000x128xf32>
    %swap3A = arith.constant 0 : index
    %swap3A_26 = arith.constant 0 : index
    %swap3A_27 = vector.load %arg5[%swap3A, %swap3A_26] : memref<1000x128xf32, #tpu.memory_space<vmem>>, vector<1000x128xf32>
    tpu.vector_store %arg5[%swap3A, %swap3A_26], %add3A_25 {strides = array<i32>} : memref<1000x128xf32, #tpu.memory_space<vmem>>, vector<1000x128xf32>,
    return
  }
  func.func @transform_0(%arg0: i32) -> (i32, i32) {
    %c0_i32 = arith.constant 0 : i32
    %c0_i32_0 = arith.constant 0 : i32
    return %arg0, %c0_i32 : i32, i32
  }
  func.func @transform_1(%arg0: i32) -> (i32, i32, i32) {
    %c0_i32 = arith.constant 0 : i32
    %c0_i32_0 = arith.constant 0 : i32
    %c0_i32_1 = arith.constant 0 : i32
    return %c0_i32, %arg0, %c0_i32_0 : i32, i32, i32
  }
  func.func @transform_2(%arg0: i32) -> (i32, i32) {
    %c0_i32 = arith.constant 0 : i32
    %c0_i32_0 = arith.constant 0 : i32
    return %arg0, %c0_i32 : i32, i32
  }
  func.func @transform_3(%arg0: i32) -> (i32, i32) {
    %c0_i32 = arith.constant 0 : i32
    %c0_i32_0 = arith.constant 0 : i32
    %c0_i32_1 = arith.constant 0 : i32
    return %c0_i32, %c0_i32_0 : i32, i32
  }
  func.func @transform_4(%arg0: i32) -> (i32, i32) {
    %c0_i32 = arith.constant 0 : i32
    %c0_i32_0 = arith.constant 0 : i32
    return %arg0, %c0_i32 : i32, i32
  }
}

</mosaic_0001>

<sc_bundles>
// kernel: kernel.5.cloned.1.call-start
scs
__scs_entry_jumppad:
0x0: {  	(pc) =	sbr.rel $0x88, $3  }
0x1: {  	(tag) =	ssettag $0x0;
	lr =	simm.s32 $0x1  }
0x2: {  	[smem:$0x3F9D] =	sst lr;
	_ =	strace $0xD0000000  }
0x3: {  	_ = 	snop  }
0x4: {  	_ = 	snop  }
0x5: {  	_ = 	snop  }
0x6: {  	_ = 	snop  }
0x7: {  	_ = 	snop  }
__scs_overlays_trampoline_lowered:
0x8: {  	[smem:$0x3FAC] =	sst s0  }
0x9: {  	[smem:$0x3FAD] =	sst s1  }
0xa: {  	[smem:$0x3FAE] =	sst s2  }
0xb: {  	[smem:$0x3FAF] =	sst s3  }
0xc: {  	[smem:$0x3FB0] =	sst s4  }
0xd: {  	[smem:$0x3FB1] =	sst s5  }
0xe: {  	[smem:$0x3FB2] =	sst s6  }
0xf: {  	[smem:$0x3FB3] =	sst s7  }
0x10: {  	[smem:$0x3FB4] =	sst s8  }
0x11: {  	[smem:$0x3FB5] =	sst s9;
	s0 =	simm.s32 @!p0 $0x0  }
0x12: {  	s1 =	sld [smem:$0x3F9B];
	s0 =	simm.s32 @p0 $0x1  }
0x13: {  	[smem:$0x3FB6] =	sst s0;
	s0 =	simm.s32 @!p1 $0x0  }
0x14: {  	s2 =	sld [smem:$0x3F9A];
	s0 =	simm.s32 @p1 $0x1  }
0x15: {  	[smem:$0x3FB7] =	sst s0;
	s0 =	simm.s32 @!p2 $0x0  }
0x16: {  	s3 =	sld [smem:$0x3FDB];
	s0 =	simm.s32 @p2 $0x1  }
0x17: {  	s4 =	simm.s32 $0x1BF5;
	[smem:$0x3FB9] =	sst s0  }
0x18: {  	s0 =	sld [smem:$0x3F9C];
	_ =	swait.ge [sflag:s4], $0x0  }
0x19: {  	s7 =	sld [smem:$0x3F9D]  }
0x1a: {  	s8 =	sadd.s32 $0xFFFFE003, lr  }
0x1b: {  	s9 =	sadd.s32 $0xFFFFFEF7, lr;
	s5 =	simm.s32 $0xFFFFFFFF;
	p2 =	slt.u32 s8, $0xFFFFF086  }
0x1c: {  	p1 =	slt.u32 s9, $0xF7A;
	s5 =	simm.s32 @!p2 $0x0  }
0x1d: {  	s5 =	simm.s32 @p1 $0x1;
	p0 =	seq.s32 s7, s2  }
0x1e: {  	s7 =	smul.u32 @!p0 $0xF7A, s2;
	p2 =	seq.s32 @!p0 s5, $0x0  }
0x1f: {  	s9 =	smul.u32 $0xF7A, s1;
	s8 =	simm.s32 @!p0 $0x1BF5;
	p2 =	por !p2, p0  }
0x20: {  	[sflag:s8] =	ssyncset.s32 @!p0 $0xFFFFF086;
	s6 =	sadd.s32 @!p0 s3, s7;
	s7 =	simm.s32 @!p0 $0x108  }
0x21: {  	s3 =	sadd.s32 s3, s9;
	s6 =	sadd.s32 @!p0 $0x88, s6;
	s7 =	simm.s32 @p2 $0x1082  }
0x22: {  	[simem:s7], [sflag:s8] =	dma.local @!p0 [hbm:s6], $0xF7A  }
0x23: {  	s9 =	sor.u32 $0xD0000000, s2;
	s6 =	simm.s32 $0x108;
	_ =	swait.ge @!p0 [sflag:s8], $0x0  }
0x24: {  	s3 =	sadd.s32 $0x88, s3;
	s6 =	simm.s32 @!p1 $0x1082;
	[sflag:s4] =	ssyncset.s32 $0xFFFFF086  }
0x25: {  	[simem:s6], [sflag:s4] =	dma.local [hbm:s3], $0xF7A  }
0x26: {  	[smem:$0x3F9D] =	sst s1;
	(tag) =	ssettag s2;
	_ =	strace s9  }
0x27: {  	s1 =	sld [smem:$0x3FAD]  }
0x28: {  	s2 =	sld [smem:$0x3FAE]  }
0x29: {  	s4 =	sld [smem:$0x3FB0]  }
0x2a: {  	p0 =	seq.s32 s5, $0x0;
	s5 =	sld [smem:$0x3FB1]  }
0x2b: {  	s6 =	sld [smem:$0x3FB2]  }
0x2c: {  	s7 =	sld [smem:$0x3FB3]  }
0x2d: {  	s3 =	simm.s32 $0x108;
	s8 =	sld [smem:$0x3FB4]  }
0x2e: {  	s3 =	simm.s32 @!p0 $0x1082;
	s9 =	sld [smem:$0x3FB5]  }
0x2f: {  	lr =	sadd.s32 s0, s3;
	s0 =	sld [smem:$0x3FAC]  }
0x30: {  	s3 =	sld [smem:$0x3FAF]  }
0x31: {  	[smem:$0x3FB8] =	sst s10  }
0x32: {  	s10 =	sld [smem:$0x3FB6];
	_ =	sdelay $0x3  }
0x33: {  	p0 =	seq.s32 s10, $0x1;
	s10 =	sld [smem:$0x3FB8];
	_ =	sdelay $0x3  }
0x34: {  	[smem:$0x3FB8] =	sst s10  }
0x35: {  	s10 =	sld [smem:$0x3FB7];
	_ =	sdelay $0x3  }
0x36: {  	p1 =	seq.s32 s10, $0x1;
	s10 =	sld [smem:$0x3FB8];
	_ =	sdelay $0x3  }
0x37: {  	[smem:$0x3FB8] =	sst s10  }
0x38: {  	s10 =	sld [smem:$0x3FB9]  }
0x39: {  	_ = 	snop;
	(pc) =	sbr.ind lr, $3  }
0x3a: {  	_ = 	snop  }
0x3b: {  	_ = 	snop  }
0x3c: {  	p2 =	seq.s32 s10, $0x1;
	s10 =	sld [smem:$0x3FB8]  }
0x3d: {  	_ =	shalt  }
0x3e: {  	_ =	shalt  }
0x3f: {  	_ =	shalt  }
0x40: {  	_ =	shalt  }
0x41: {  	_ =	shalt  }
0x42: {  	_ =	shalt  }
0x43: {  	_ =	shalt  }
0x44: {  	_ =	shalt  }
0x45: {  	_ =	shalt  }
0x46: {  	_ =	shalt  }
0x47: {  	_ =	shalt  }
0x48: {  	_ =	shalt  }
0x49: {  	_ =	shalt  }
0x4a: {  	_ =	shalt  }
0x4b: {  	_ =	shalt  }
0x4c: {  	_ =	shalt  }
0x4d: {  	_ =	shalt  }
0x4e: {  	_ =	shalt  }
0x4f: {  	_ =	shalt  }
0x50: {  	_ =	shalt  }
0x51: {  	_ =	shalt  }
0x52: {  	_ =	shalt  }
0x53: {  	_ =	shalt  }
0x54: {  	_ =	shalt  }
0x55: {  	_ =	shalt  }
0x56: {  	_ =	shalt  }
0x57: {  	_ =	shalt  }
0x58: {  	_ =	shalt  }
0x59: {  	_ =	shalt  }
0x5a: {  	_ =	shalt  }
0x5b: {  	_ =	shalt  }
0x5c: {  	_ =	shalt  }
0x5d: {  	_ =	shalt  }
0x5e: {  	_ =	shalt  }
0x5f: {  	_ =	shalt  }
0x60: {  	_ =	shalt  }
0x61: {  	_ =	shalt  }
0x62: {  	_ =	shalt  }
0x63: {  	_ =	shalt  }
0x64: {  	_ =	shalt  }
0x65: {  	_ =	shalt  }
0x66: {  	_ =	shalt  }
0x67: {  	_ =	shalt  }
0x68: {  	_ =	shalt  }
0x69: {  	_ =	shalt  }
0x6a: {  	_ =	shalt  }
0x6b: {  	_ =	shalt  }
0x6c: {  	_ =	shalt  }
0x6d: {  	_ =	shalt  }
0x6e: {  	_ =	shalt  }
0x6f: {  	_ =	shalt  }
0x70: {  	_ =	shalt  }
0x71: {  	_ =	shalt  }
0x72: {  	_ =	shalt  }
0x73: {  	_ =	shalt  }
0x74: {  	_ =	shalt  }
0x75: {  	_ =	shalt  }
0x76: {  	_ =	shalt  }
0x77: {  	_ =	shalt  }
0x78: {  	_ =	shalt  }
0x79: {  	_ =	shalt  }
0x7a: {  	_ =	shalt  }
0x7b: {  	_ =	shalt  }
0x7c: {  	_ =	shalt  }
0x7d: {  	_ =	shalt  }
0x7e: {  	_ =	shalt  }
0x7f: {  	_ =	shalt  }
0x80: {  	_ =	shalt  }
0x81: {  	_ =	shalt  }
0x82: {  	_ =	shalt  }
0x83: {  	_ =	shalt  }
0x84: {  	_ =	shalt  }
0x85: {  	_ =	shalt  }
0x86: {  	_ =	shalt  }
0x87: {  	_ =	shalt  }
.Lfunc_end0:
.L_simem_size_0:
called_computation_lowered:
.L_overlay_start_0:
0x88: {  	s2 =	sld [smem:$0x3FD9]  }
0x89: {  	s3 =	sld [smem:$0x3FFE];
	_ =	sdelay $0x1  }
0x8a: {  	s1 =	srdreg.scid  }
0x8b: {  	s0 =	sand.u32 $0x1, s1  }
0x8c: {  	s17 =	sshll.u32 s0, $0xA;
	s2 =	sadd.s32 s3, s2  }
0x8d: {  	s2 =	sadd.s32 s2, s17  }
0x8e: {  	[smem:$0x3FC4] =	sst s2  }
0x8f: {  	_ = 	snop  }
0x90: {  	s2 =	sld [smem:$0x3FC9]  }
0x91: {  	s18 =	sld [smem:$0x3FD0];
	(tm) =	ssettm $0x1  }
0x92: {  	s4 =	sld [smem:$0x3FFB];
	_ =	sdelay $0x3  }
0x93: {  	_ =	strace s4  }
0x94: {  	s4 =	sld [smem:$0x3FFC];
	_ =	sdelay $0x3  }
0x95: {  	_ =	strace s4  }
0x96: {  	s4 =	sld [smem:$0x3FFD];
	_ =	sdelay $0x3  }
0x97: {  	_ =	strace s4  }
0x98: {  	_ =	strace $0x8FFFFFFF  }
0x99: {  	s19 =	sld [smem:$0x3FDB];
	_ =	sdelay $0x1  }
0x9a: {  	s5 =	simm.s32 $_scs_section_size  }
0x9b: {  	s6 =	simm.s32 $_size__tile_overlayer_lowered;
	s7 =	simm.s32 $_tile_overlayer_lowered  }
0x9c: {  	s22 =	simm.s32 $0x1BFF;
	s21 =	sshll.u32 s7, $0x1;
	s4 =	sadd.s32 s5, s19  }
0x9d: {  	s8 =	simm.s32 $0x0;
	s20 =	sshll.u32 s6, $0x1;
	s6 =	sadd.s32 s21, s4  }
0x9e: {  	[timem:s8], [sflag:s22] =	dma.local [hbm:s6], s20  }
0x9f: {  	_ =	swait.ge [sflag:s22], s20  }
0xa0: {  	s5 =	ssub.s32 $0x0, s20;
	[sflag:s22] =	ssyncset.done $0x0  }
0xa1: {  	[sflag:s22] =	ssyncadd.s32 s5;
	_ =	sdelay $0x1  }
0xa2: {  	s23 =	simm.s32 $0x1B8B  }
0xa3: {  	_ =	swait.ge [sflag:s23], $0x1  }
0xa4: {  	[sflag:s23] =	ssyncset.done $0x0  }
0xa5: {  	s25 =	simm.s32 $0x1B8E;
	s24 =	sld [smem:$0x3FFE];
	[sflag:s23] =	ssyncadd.s32 $0xFFFFFFFF  }
0xa6: {  	s26 =	simm.s32 $execute0_lowered;
	[smem:$0x3FD2] =	sst s25  }
0xa7: {  	s6 =	sshll.u32 s26, $0x1;
	_ =	strace $0x80000046;
	[dreg:$0x1] =	wrdreg $0xFFFFFFFF  }
0xa8: {  	s28 =	simm.s32 $_size_execute0_lowered;
	s4 =	sadd.s32 s4, s6;
	[dreg:$0x0] =	wrdreg $0x0  }
0xa9: {  	s6 =	sshll.u32 s28, $0x1;
	[dreg:$0x2] =	wrdreg s4  }
0xaa: {  	[dreg:$0x3] =	wrdreg s6  }
0xab: {  	[dreg:$0x4] =	wrdreg $0xC0  }
0xac: {  	_ =	task [dreg:s8], $0x5FFFF  }
0xad: {  	[dreg:$0x1] =	wrdreg $0xFFFFFFFF  }
0xae: {  	[dreg:$0x0] =	wrdreg $0x60  }
0xaf: {  	[dreg:$0x2] =	wrdreg s2  }
0xb0: {  	[dreg:$0x3] =	wrdreg s24  }
0xb1: {  	[dreg:$0x4] =	wrdreg s18  }
0xb2: {  	[dreg:$0x5] =	wrdreg $0xBA800  }
0xb3: {  	[dreg:$0x6] =	wrdreg $0x9  }
0xb4: {  	_ =	task.clear_ibuf [dreg:s8], $0x7FFFF;
	_ =	strace $0x90000046  }
0xb5: {  	s29 =	simm.s32 $0x9;
	_ =	strace $0x80000048  }
0xb6: {  	_ =	swait.ge [sflag:s29], $0x1  }
0xb7: {  	[sflag:s29] =	ssyncadd.s32 $0xFFFFFFFF  }
0xb8: {  	_ =	strace $0x90000048  }
0xb9: {  	_ =	sfence  }
0xba: {  	s30 =	sld [smem:$0x0];
	_ =	sdelay $0x2  }
0xbb: {  	s31 =	sshll.u32 s1, $0xD;
	s1 =	sshrl.u32 s1, $0x2  }
0xbc: {  	s3 =	sand.u32 $0x4000, s31;
	s1 =	sadd.s32 s1, s30  }
0xbd: {  	s0 =	sor.u32 s3, s0;
	s1 =	sshll.u32 s1, $0x11  }
0xbe: {  	s0 =	sor.u32 s1, s0  }
0xbf: {  	s0 =	sadd.s32 $0x8F2B, s0  }
0xc0: {  	[sflag:s0] =	ssyncadd.remote.s32 $0x1  }
0xc1: {  	_ =	sfence.sel $0xFFFF  }
0xc2: {  	[dreg:$0x0] =	wrdreg $0xFFFFFFFF;
	(pc) =	sbr.abs _section_cstart, $3  }
0xc3: {  	[dreg:$0x1] =	wrdreg $0xFFFFFFFF  }
0xc4: {  	_ =	task.clear_ibuf [dreg:s8], $0x2FFFF;
	_ =	strace $0x9FFFFFFF  }
0xc5: {  	(tm) =	ssettm $0x7FFFFFFF  }
tec
execute0_lowered:
.L_overlay_start_1:
0x0: {  	(tag) =	ssettag $0x1  }
0x1: {  	s1 =	rddreg [dreg:$0x0]  }
0x2: {  	s0 =	rddreg [dreg:$0x1]  }
0x3: {  	s4 =	rddreg [dreg:$0x2]  }
0x4: {  	s2 =	rddreg [dreg:$0x3];
	s3 =	simm.s32 $0x0;
	s7 =	srdreg.scid  }
0x5: {  	s16 =	stileid.u32;
	s28 =	simm.s32 $0x7;
	s29 =	simm.s32 $0x180  }
0x6: {  	s30 =	simm.s32 $0x80;
	s31 =	simm.s32 $0x200;
	[smem:$0x7FF] =	sst s3  }
0x7: {  	s5 =	sadd.s32 $0xAE00, s0;
	s6 =	sadd.s32 $0x1000, s0;
	s21 =	smul.u32 $0x4E400, s16  }
0x8: {  	s8 =	sand.u32 $0x1, s7;
	s0 =	sadd.s32 $0x14C00, s0;
	s10 =	sshll.u32 s16, $0x1  }
0x9: {  	s15 =	smul.u32 $0x13800, s16;
	p0 =	sne.s32 s16, $0x1;
	s7 =	sshrl.u32 s21, $0x2  }
0xa: {  	_ =	strace $0x80000047;
	s9 =	ssub.s32 $0x2, s8;
	s7 =	sadd.s32 s7, s2  }
0xb: {  	s10 =	sor.u32 s8, s10;
	s8 =	smul.u32 $0x138800, s8;
	s12 =	sadd.s32 $0x3000, s7  }
0xc: {  	s11 =	sshrl.u32 s9, $0x1;
	s22 =	sadd.s32 $0x6000, s7;
	[dreg:$0x8] =	wrdreg s12  }
0xd: {  	s9 =	ssub.s32 s9, s11;
	s23 =	sadd.s32 $0x9000, s7;
	[dreg:$0x9] =	wrdreg s22  }
0xe: {  	s11 =	smul.u32 $0x2760, s10;
	s24 =	sadd.s32 $0xC000, s7;
	[dreg:$0xa] =	wrdreg s23  }
0xf: {  	s10 =	smul.u32 $0x4F0, s10;
	s25 =	sadd.s32 $0xF000, s7;
	[dreg:$0xb] =	wrdreg s24  }
0x10: {  	s13 =	sadd.s32 $0x12000, s7;
	[dreg:$0xc] =	wrdreg s25;
	s26 =	sshrl.u32 s11, $0x3  }
0x11: {  	[dreg:$0xd] =	wrdreg s13;
	s14 =	sadd.s32 $0x120, s11;
	s20 =	sadd.s32 $0x180, s11  }
0x12: {  	s11 =	sadd.s32 $0x1E0, s11;
	s22 =	sadd.s32 s15, s8;
	s23 =	smul.u32 $0x4E000, s16  }
0x13: {  	s8 =	sshrl.u32 s8, $0x3;
	s15 =	simm.s32 $0x6300;
	[dreg:$0x5] =	wrdreg s14  }
0x14: {  	s16 =	simm.s32 $0x5;
	s17 =	sadd.s32 s5, s26;
	[dreg:$0x6] =	wrdreg s20  }
0x15: {  	s18 =	sadd.s32 s6, s26;
	s19 =	sadd.s32 $0xC, s26;
	[dreg:$0x7] =	wrdreg s11  }
0x16: {  	s11 =	sshrl.u32 s22, $0x3;
	s12 =	sadd.s32 $0x18, s26;
	s22 =	sadd.s32 s4, s10  }
0x17: {  	s4 =	simm.s32 $0x280;
	s10 =	simm.s32 $0x2;
	[dreg:$0xe] =	wrdreg s17  }
0x18: {  	s14 =	simm.s32 $0x3;
	[dreg:$0xf] =	wrdreg s18;
	s21 =	sadd.s32 s5, s19  }
0x19: {  	s13 =	sadd.s32 s6, s19;
	s11 =	sadd.s32 s0, s11;
	s0 =	sadd.s32 s0, s8  }
0x1a: {  	s24 =	sadd.s32 s5, s12;
	s25 =	sshrl.u32 s23, $0x2;
	[dreg:$0x10] =	wrdreg s21  }
0x1b: {  	s26 =	sadd.s32 s6, s12;
	s23 =	smax.u32 s9, $0x1;
	[dreg:$0x11] =	wrdreg s13  }
0x1c: {  	s9 =	simm.s32 $0x60;
	s12 =	simm.s32 $0x4;
	[dreg:$0x12] =	wrdreg s11  }
0x1d: {  	s17 =	simm.s32 $0x6;
	s18 =	simm.s32 $0x0;
	[dreg:$0x13] =	wrdreg s24  }
0x1e: {  	[dreg:$0x14] =	wrdreg s26;
	s8 =	sadd.s32 s25, s2;
	s0 =	sadd.s32 $0x27000, s0  }
0x1f: {  	s26 =	simm.s32 $0x300;
	s11 =	simm.s32 $0x3300;
	s13 =	simm.s32 $0x9300  }
0x20: {  	[dreg:$0x15] =	wrdreg s0;
	s0 =	sadd.s32 $0x138000, s2;
	s24 =	sshrl.u32 s8, $0x3  }
0x21: {  	v0 =	vimm.f32 $0.0e+00;
	v1 =	vimm.f32 $1.000000000e+00;
	s8 =	simm.s32 $0x1;
	s25 =	sshrl.u32 @!p0 s0, $0x3;
	s0 =	simm.s32 $0x100  }
.LBB2_1:
0x22: {  	s19 =	simm.s32 $0x0;
	s20 =	simm.s32 $0x200  }
.LBB2_2:
0x23: {  	p1 =	sne.s32 s20, $0xBE00;
	[tilespmem:s19+$0x370] =	vst v0  }
0x24: {  	[tilespmem:s19+$0x300] =	vst v0  }
0x25: {  	[tilespmem:s19+$0x310] =	vst v0  }
.Ltmp0:
0x26: {  	[tilespmem:s19+$0x320] =	vst v0;
	(pc) =	sbr.rel @p1 .LBB2_2-.Ltmp0, $4  }
0x27: {  	[tilespmem:s19+$0x330] =	vst v0  }
0x28: {  	[tilespmem:s19+$0x340] =	vst v0  }
0x29: {  	[tilespmem:s19+$0x350] =	vst v0  }
0x2a: {  	[tilespmem:s19+$0x360] =	vst v0;
	s19 =	sshra.s32 s20, $0x2;
	s20 =	sadd.s32 $0x200, s20  }
0x2b: {  	[tilespmem:s19+$0x370] =	vst v0  }
0x2c: {  	[tilespmem:s19+$0x300] =	vst v0  }
0x2d: {  	[tilespmem:s19+$0x310] =	vst v0  }
0x2e: {  	[tilespmem:s19+$0x320] =	vst v0  }
0x2f: {  	[tilespmem:s19+$0x330] =	vst v0  }
0x30: {  	[tilespmem:s19+$0x340] =	vst v0  }
0x31: {  	[tilespmem:s19+$0x350] =	vst v0  }
0x32: {  	[tilespmem:s19+$0x360] =	vst v0  }
0x33: {  	[spmem:s7] =	stream.linear.scatter [tilespmem:s26], [sflag:$0x7], $0x3000, $0x38;
	[tilespmem:$0x1F380] =	vst v63  }
0x34: {  	_ =	swait.ge [sflag:s28], $0x3000  }
0x35: {  	[sflag:s28] =	ssyncset.done $0x0  }
0x36: {  	s20 =	rddreg [dreg:$0x8];
	[sflag:s28] =	ssyncadd.s32 $0xFFFFD000  }
0x37: {  	[spmem:s20] =	stream.linear.scatter [tilespmem:s26], [sflag:$0x7], $0x3000, $0x38;
	[tilespmem:$0x1F380] =	vst v63  }
0x38: {  	_ =	swait.ge [sflag:s28], $0x3000  }
0x39: {  	[sflag:s28] =	ssyncset.done $0x0  }
0x3a: {  	s21 =	rddreg [dreg:$0x9];
	[sflag:s28] =	ssyncadd.s32 $0xFFFFD000  }
0x3b: {  	[spmem:s21] =	stream.linear.scatter [tilespmem:s26], [sflag:$0x7], $0x3000, $0x38;
	[tilespmem:$0x1F380] =	vst v63  }
0x3c: {  	_ =	swait.ge [sflag:s28], $0x3000  }
0x3d: {  	[sflag:s28] =	ssyncset.done $0x0  }
0x3e: {  	s20 =	rddreg [dreg:$0xa];
	[sflag:s28] =	ssyncadd.s32 $0xFFFFD000  }
0x3f: {  	[spmem:s20] =	stream.linear.scatter [tilespmem:s26], [sflag:$0x7], $0x3000, $0x38;
	[tilespmem:$0x1F380] =	vst v63  }
0x40: {  	_ =	swait.ge [sflag:s28], $0x3000  }
0x41: {  	[sflag:s28] =	ssyncset.done $0x0  }
0x42: {  	s21 =	rddreg [dreg:$0xb];
	[sflag:s28] =	ssyncadd.s32 $0xFFFFD000  }
0x43: {  	[spmem:s21] =	stream.linear.scatter [tilespmem:s26], [sflag:$0x7], $0x3000, $0x38;
	[tilespmem:$0x1F380] =	vst v63  }
0x44: {  	_ =	swait.ge [sflag:s28], $0x3000  }
0x45: {  	[sflag:s28] =	ssyncset.done $0x0  }
0x46: {  	s20 =	rddreg [dreg:$0xc];
	[sflag:s28] =	ssyncadd.s32 $0xFFFFD000  }
0x47: {  	[spmem:s20] =	stream.linear.scatter [tilespmem:s26], [sflag:$0x7], $0x3000, $0x38;
	[tilespmem:$0x1F380] =	vst v63  }
0x48: {  	_ =	swait.ge [sflag:s28], $0x3000  }
0x49: {  	[sflag:s28] =	ssyncset.done $0x0  }
0x4a: {  	s21 =	rddreg [dreg:$0xd];
	[sflag:s28] =	ssyncadd.s32 $0xFFFFD000  }
0x4b: {  	[spmem:s21] =	stream.linear.scatter [tilespmem:s26], [sflag:$0x7], $0x1900, $0x38;
	[tilespmem:$0x1F380] =	vst v63  }
0x4c: {  	_ =	swait.ge [sflag:s28], $0x1900  }
0x4d: {  	[sflag:s28] =	ssyncset.done $0x0  }
0x4e: {  	s19 =	simm.s32 $0x40;
	s20 =	simm.s32 $0x0;
	[sflag:s28] =	ssyncadd.s32 $0xFFFFE700  }
.LBB2_4:
0x4f: {  	p1 =	sne.s32 s19, $0x9C40;
	[tilespmem:s20+$0x9300] =	vst v0;
	s20 =	smov.u32 s19;
	s19 =	sadd.s32 $0x40, s19  }
.Ltmp1:
0x50: {  	(pc) =	sbr.rel @p1 .LBB2_4-.Ltmp1, $2  }
0x51: {  	_ =	sdelay $0x2  }
0x52: {  	s20 =	sshra.s32 s20, $0x2  }
0x53: {  	[tilespmem:s20+$0x9300] =	vst v0  }
0x54: {  	[bflag:$0x0] =	sbarrier.arrive $0xFFFF  }
0x55: {  	s19 =	simm.s32 $0x0;
	s21 =	rddreg [dreg:$0xe]  }
0x56: {  	[tilespmem:s19], [sflag:$0x1] =	stream.linear.gather [hbm4b:s21+s19], $0x60, $0x38;
	[tilespmem:$0x1F380] =	vst v63  }
0x57: {  	s21 =	rddreg [dreg:$0xf]  }
0x58: {  	[tilespmem:s29], [sflag:$0x1] =	stream.linear.gather [hbm4b:s21+s19], $0x60, $0x38;
	[tilespmem:$0x1F380] =	vst v63  }
0x59: {  	s21 =	rddreg [dreg:$0x10]  }
0x5a: {  	[tilespmem:s30], [sflag:$0x2] =	stream.linear.gather [hbm4b:s21+s19], $0x60, $0x38;
	[tilespmem:$0x1F380] =	vst v63  }
0x5b: {  	s21 =	rddreg [dreg:$0x11]  }
0x5c: {  	[tilespmem:s31], [sflag:$0x2] =	stream.linear.gather [hbm4b:s21+s19], $0x60, $0x38;
	[tilespmem:$0x1F380] =	vst v63  }
0x5d: {  	s21 =	rddreg [dreg:$0x13]  }
0x5e: {  	[tilespmem:s0], [sflag:$0x3] =	stream.linear.gather [hbm4b:s21+s19], $0x60, $0x38;
	[tilespmem:$0x1F380] =	vst v63  }
0x5f: {  	s21 =	rddreg [dreg:$0x14]  }
0x60: {  	[tilespmem:s4], [sflag:$0x3] =	stream.linear.gather [hbm4b:s21+s19], $0x60, $0x38;
	[tilespmem:$0x1F380] =	vst v63  }
0x61: {  	_ =	swait.ge [sflag:s8], $0x60  }
0x62: {  	[sflag:s8] =	ssyncset.done $0x0  }
0x63: {  	[sflag:s8] =	ssyncadd.s32 $0xFFFFFFA0  }
0x64: {  	_ =	swait.ge [sflag:s8], $0x60  }
0x65: {  	[sflag:s8] =	ssyncset.done $0x0  }
0x66: {  	[sflag:s8] =	ssyncadd.s32 $0xFFFFFFA0  }
0x67: {  	[tilespmem:s26], [sflag:$0x4] =	stream.indirect.gather [hbm4b:s1+s9], $0x80, s19, s9, $0xb8;
	[tilespmem:$0x1F380] =	vst v63  }
0x68: {  	_ =	swait.ge [sflag:s10], $0x60  }
0x69: {  	[sflag:s10] =	ssyncset.done $0x0  }
0x6a: {  	[sflag:s10] =	ssyncadd.s32 $0xFFFFFFA0  }
0x6b: {  	_ =	swait.ge [sflag:s10], $0x60  }
0x6c: {  	[sflag:s10] =	ssyncset.done $0x0  }
0x6d: {  	[sflag:s10] =	ssyncadd.s32 $0xFFFFFFA0  }
0x6e: {  	[tilespmem:s11], [sflag:$0x5] =	stream.indirect.gather [hbm4b:s1+s9], $0x80, s30, s9, $0xb8;
	[tilespmem:$0x1F380] =	vst v63  }
.LBB2_6:
0x6f: {  	_ =	swait.ge [sflag:s12], $0x3000  }
0x70: {  	[sflag:s12] =	ssyncset.done $0x0  }
0x71: {  	[sflag:s12] =	ssyncadd.s32 $0xFFFFD000  }
0x72: {  	[spmem:s2] =	stream.indirect.scatter.add.f32 [tilespmem:s26], [sflag:$0x7], $0x80, s29, s9, $0xb8;
	[tilespmem:$0x1F380] =	vst v63  }
0x73: {  	_ =	swait.ge [sflag:s28], $0x3000  }
0x74: {  	[sflag:s28] =	ssyncset.done $0x0  }
0x75: {  	[sflag:s28] =	ssyncadd.s32 $0xFFFFD000  }
0x76: {  	v2 =	vld [tilespmem:$0x180];
	_ =	sdelay $0x7  }
0x77: {  	[tilespmem:v2+s13+$0x0] =	vst.idx.add.f32.msk $0xffff, v1  }
0x78: {  	v2 =	vld [tilespmem:$0x190];
	_ =	sdelay $0x7  }
0x79: {  	[tilespmem:v2+s13+$0x0] =	vst.idx.add.f32.msk $0xffff, v1  }
0x7a: {  	v2 =	vld [tilespmem:$0x1A0];
	_ =	sdelay $0x7  }
0x7b: {  	[tilespmem:v2+s13+$0x0] =	vst.idx.add.f32.msk $0xffff, v1  }
0x7c: {  	v2 =	vld [tilespmem:$0x1B0];
	_ =	sdelay $0x7  }
0x7d: {  	[tilespmem:v2+s13+$0x0] =	vst.idx.add.f32.msk $0xffff, v1  }
0x7e: {  	v2 =	vld [tilespmem:$0x1C0];
	_ =	sdelay $0x7  }
0x7f: {  	[tilespmem:v2+s13+$0x0] =	vst.idx.add.f32.msk $0xffff, v1  }
0x80: {  	v2 =	vld [tilespmem:$0x1D0];
	_ =	sdelay $0x2  }
0x81: {  	s20 =	smin.u32 s19, $0x65  }
0x82: {  	s20 =	smul.u32 $0x60, s20  }
0x83: {  	s21 =	rddreg [dreg:$0x5]  }
0x84: {  	s20 =	sadd.s32 s20, s21  }
0x85: {  	s20 =	sshrl.u32 s20, $0x3  }
0x86: {  	s21 =	sadd.s32 s5, s20;
	[tilespmem:v2+s13+$0x0] =	vst.idx.add.f32.msk $0xffff, v1  }
0x87: {  	[tilespmem:s3], [sflag:$0x1] =	stream.linear.gather [hbm4b:s21+s3], $0x60, $0x38;
	[tilespmem:$0x1F380] =	vst v63  }
0x88: {  	s20 =	sadd.s32 s6, s20  }
0x89: {  	[tilespmem:s29], [sflag:$0x1] =	stream.linear.gather [hbm4b:s20+s3], $0x60, $0x38;
	[tilespmem:$0x1F380] =	vst v63  }
0x8a: {  	_ =	swait.ge [sflag:s14], $0x60  }
0x8b: {  	[sflag:s14] =	ssyncset.done $0x0  }
0x8c: {  	[sflag:s14] =	ssyncadd.s32 $0xFFFFFFA0  }
0x8d: {  	_ =	swait.ge [sflag:s14], $0x60  }
0x8e: {  	[sflag:s14] =	ssyncset.done $0x0  }
0x8f: {  	[sflag:s14] =	ssyncadd.s32 $0xFFFFFFA0  }
0x90: {  	[tilespmem:s15], [sflag:$0x6] =	stream.indirect.gather [hbm4b:s1+s9], $0x80, s0, s9, $0xb8;
	[tilespmem:$0x1F380] =	vst v63  }
0x91: {  	_ =	swait.ge [sflag:s16], $0x3000  }
0x92: {  	[sflag:s16] =	ssyncset.done $0x0  }
0x93: {  	[sflag:s16] =	ssyncadd.s32 $0xFFFFD000  }
0x94: {  	[spmem:s2] =	stream.indirect.scatter.add.f32 [tilespmem:s11], [sflag:$0x7], $0x80, s31, s9, $0xb8;
	[tilespmem:$0x1F380] =	vst v63  }
0x95: {  	_ =	swait.ge [sflag:s28], $0x3000  }
0x96: {  	[sflag:s28] =	ssyncset.done $0x0  }
0x97: {  	[sflag:s28] =	ssyncadd.s32 $0xFFFFD000  }
0x98: {  	v2 =	vld [tilespmem:$0x200];
	_ =	sdelay $0x7  }
0x99: {  	[tilespmem:v2+s13+$0x0] =	vst.idx.add.f32.msk $0xffff, v1  }
0x9a: {  	v2 =	vld [tilespmem:$0x210];
	_ =	sdelay $0x7  }
0x9b: {  	[tilespmem:v2+s13+$0x0] =	vst.idx.add.f32.msk $0xffff, v1  }
0x9c: {  	v2 =	vld [tilespmem:$0x220];
	_ =	sdelay $0x7  }
0x9d: {  	[tilespmem:v2+s13+$0x0] =	vst.idx.add.f32.msk $0xffff, v1  }
0x9e: {  	v2 =	vld [tilespmem:$0x230];
	_ =	sdelay $0x7  }
0x9f: {  	[tilespmem:v2+s13+$0x0] =	vst.idx.add.f32.msk $0xffff, v1  }
0xa0: {  	v2 =	vld [tilespmem:$0x240];
	_ =	sdelay $0x7  }
0xa1: {  	[tilespmem:v2+s13+$0x0] =	vst.idx.add.f32.msk $0xffff, v1  }
0xa2: {  	v2 =	vld [tilespmem:$0x250];
	_ =	sdelay $0x2  }
0xa3: {  	s20 =	smin.u32 s19, $0x64  }
0xa4: {  	s20 =	smul.u32 $0x60, s20  }
0xa5: {  	s21 =	rddreg [dreg:$0x6]  }
0xa6: {  	s20 =	sadd.s32 s20, s21  }
0xa7: {  	s20 =	sshrl.u32 s20, $0x3  }
0xa8: {  	s21 =	sadd.s32 s5, s20;
	[tilespmem:v2+s13+$0x0] =	vst.idx.add.f32.msk $0xffff, v1  }
0xa9: {  	[tilespmem:s30], [sflag:$0x2] =	stream.linear.gather [hbm4b:s21+s3], $0x60, $0x38;
	[tilespmem:$0x1F380] =	vst v63  }
0xaa: {  	s20 =	sadd.s32 s6, s20  }
0xab: {  	[tilespmem:s31], [sflag:$0x2] =	stream.linear.gather [hbm4b:s20+s3], $0x60, $0x38;
	[tilespmem:$0x1F380] =	vst v63  }
0xac: {  	_ =	swait.ge [sflag:s8], $0x60  }
0xad: {  	[sflag:s8] =	ssyncset.done $0x0  }
0xae: {  	[sflag:s8] =	ssyncadd.s32 $0xFFFFFFA0  }
0xaf: {  	_ =	swait.ge [sflag:s8], $0x60  }
0xb0: {  	[sflag:s8] =	ssyncset.done $0x0  }
0xb1: {  	[sflag:s8] =	ssyncadd.s32 $0xFFFFFFA0  }
0xb2: {  	[tilespmem:s26], [sflag:$0x4] =	stream.indirect.gather [hbm4b:s1+s9], $0x80, s3, s9, $0xb8;
	[tilespmem:$0x1F380] =	vst v63  }
0xb3: {  	_ =	swait.ge [sflag:s17], $0x3000  }
0xb4: {  	[sflag:s17] =	ssyncset.done $0x0  }
0xb5: {  	[sflag:s17] =	ssyncadd.s32 $0xFFFFD000  }
0xb6: {  	[spmem:s2] =	stream.indirect.scatter.add.f32 [tilespmem:s15], [sflag:$0x7], $0x80, s4, s9, $0xb8;
	[tilespmem:$0x1F380] =	vst v63  }
0xb7: {  	_ =	swait.ge [sflag:s28], $0x3000  }
0xb8: {  	[sflag:s28] =	ssyncset.done $0x0  }
0xb9: {  	[sflag:s28] =	ssyncadd.s32 $0xFFFFD000  }
0xba: {  	v2 =	vld [tilespmem:$0x280];
	_ =	sdelay $0x7  }
0xbb: {  	[tilespmem:v2+s13+$0x0] =	vst.idx.add.f32.msk $0xffff, v1  }
0xbc: {  	v2 =	vld [tilespmem:$0x290];
	_ =	sdelay $0x7  }
0xbd: {  	[tilespmem:v2+s13+$0x0] =	vst.idx.add.f32.msk $0xffff, v1  }
0xbe: {  	v2 =	vld [tilespmem:$0x2A0];
	_ =	sdelay $0x7  }
0xbf: {  	[tilespmem:v2+s13+$0x0] =	vst.idx.add.f32.msk $0xffff, v1  }
0xc0: {  	v2 =	vld [tilespmem:$0x2B0];
	_ =	sdelay $0x7  }
0xc1: {  	[tilespmem:v2+s13+$0x0] =	vst.idx.add.f32.msk $0xffff, v1  }
0xc2: {  	v2 =	vld [tilespmem:$0x2C0];
	_ =	sdelay $0x7  }
0xc3: {  	[tilespmem:v2+s13+$0x0] =	vst.idx.add.f32.msk $0xffff, v1  }
0xc4: {  	v2 =	vld [tilespmem:$0x2D0];
	_ =	sdelay $0x2  }
0xc5: {  	s20 =	smin.u32 s19, $0x63  }
0xc6: {  	s20 =	smul.u32 $0x60, s20  }
0xc7: {  	s21 =	rddreg [dreg:$0x7]  }
0xc8: {  	s20 =	sadd.s32 s20, s21  }
0xc9: {  	s20 =	sshrl.u32 s20, $0x3  }
0xca: {  	s21 =	sadd.s32 s5, s20;
	[tilespmem:v2+s13+$0x0] =	vst.idx.add.f32.msk $0xffff, v1  }
0xcb: {  	[tilespmem:s0], [sflag:$0x3] =	stream.linear.gather [hbm4b:s21+s3], $0x60, $0x38;
	[tilespmem:$0x1F380] =	vst v63  }
0xcc: {  	s20 =	sadd.s32 s6, s20  }
0xcd: {  	[tilespmem:s4], [sflag:$0x3] =	stream.linear.gather [hbm4b:s20+s3], $0x60, $0x38;
	[tilespmem:$0x1F380] =	vst v63  }
0xce: {  	_ =	swait.ge [sflag:s10], $0x60  }
0xcf: {  	p1 =	sne.s32 s19, $0x66;
	[sflag:s10] =	ssyncset.done $0x0  }
.Ltmp2:
0xd0: {  	[sflag:s10] =	ssyncadd.s32 $0xFFFFFFA0;
	(pc) =	sbr.rel @p1 .LBB2_6-.Ltmp2, $4  }
0xd1: {  	_ =	swait.ge [sflag:s10], $0x60  }
0xd2: {  	[sflag:s10] =	ssyncset.done $0x0  }
0xd3: {  	s19 =	sadd.s32 $0x3, s19;
	[sflag:s10] =	ssyncadd.s32 $0xFFFFFFA0  }
0xd4: {  	[tilespmem:s11], [sflag:$0x5] =	stream.indirect.gather [hbm4b:s1+s9], $0x80, s30, s9, $0xb8;
	[tilespmem:$0x1F380] =	vst v63  }
0xd5: {  	_ =	swait.ge [sflag:s12], $0x3000  }
0xd6: {  	[sflag:s12] =	ssyncset.done $0x0  }
0xd7: {  	[sflag:s12] =	ssyncadd.s32 $0xFFFFD000  }
0xd8: {  	_ =	swait.ge [sflag:s16], $0x3000  }
0xd9: {  	[sflag:s16] =	ssyncset.done $0x0  }
0xda: {  	[sflag:s16] =	ssyncadd.s32 $0xFFFFD000  }
0xdb: {  	_ =	swait.ge [sflag:s14], $0x60  }
0xdc: {  	[sflag:s14] =	ssyncset.done $0x0  }
0xdd: {  	[sflag:s14] =	ssyncadd.s32 $0xFFFFFFA0  }
0xde: {  	_ =	swait.ge [sflag:s14], $0x60  }
0xdf: {  	[sflag:s14] =	ssyncset.done $0x0  }
0xe0: {  	s19 =	stileid.u32;
	[sflag:s14] =	ssyncadd.s32 $0xFFFFFFA0  }
0xe1: {  	s19 =	sshll.u32 s19, $0x6;
	[bflag:$0x0] =	sbarrier.arrive $0xFFFF  }
0xe2: {  	s19 =	sor.u32 $0x1C07, s19;
	s20 =	rddreg [dreg:$0x12]  }
0xe3: {  	[hbm:s20], [sflag:s19] =	dma.local [spmem:s24], $0x2700  }
0xe4: {  	_ =	swait.ge [sflag:s28], $0x2700  }
0xe5: {  	[sflag:s28] =	ssyncset.done $0x0  }
0xe6: {  	s20 =	rddreg [dreg:$0x15];
	[sflag:s28] =	ssyncadd.s32 $0xFFFFD900  }
0xe7: {  	[hbm:s20], [sflag:s19] =	dma.local @!p0 [spmem:s25], $0x100  }
0xe8: {  	s19 =	simm.s32 @!p0 $0x7  }
0xe9: {  	s18 =	sadd.s32 $0x1, s18;
	_ =	swait.ge @!p0 [sflag:s19], $0x100  }
0xea: {  	p1 =	sne.s32 s18, s23;
	[sflag:s19] =	ssyncset.done @!p0 $0x0  }
.Ltmp3:
0xeb: {  	[sflag:s19] =	ssyncadd.s32 @!p0 $0xFFFFFF00;
	(pc) =	sbr.rel @p1 .LBB2_1-.Ltmp3, $4  }
0xec: {  	[hbm4b:s22+s3] =	stream.linear.scatter [tilespmem:s13], [sflag:$0x7], $0x2710, $0x38;
	[tilespmem:$0x1F380] =	vst v63  }
0xed: {  	_ =	swait.ge [sflag:s28], $0x2710  }
0xee: {  	[sflag:s28] =	ssyncset.done $0x0  }
0xef: {  	[sflag:s28] =	ssyncadd.s32 $0xFFFFD8F0  }
0xf0: {  	_ =	sfence.sel $0x180000  }
0xf1: {  	[bflag:$0x0] =	sbarrier.arrive $0xFFFF  }
0xf2: {  	_ =	strace $0x90000047  }
0xf3: {  	s0 =	stileid.u32;
	[bflag:$0x2] =	sbarrier.arrive $0xFFFF  }
0xf4: {  	p0 =	sne.s32 s0, $0x0;
	s0 =	rddreg [dreg:$0x4]  }
0xf5: {  	s0 =	sadd.s32 @!p0 $0x100000, s0  }
0xf6: {  	[sflag:s0] =	ssyncadd.tile.s32 @!p0 $0x1;
	_ =	shalt  }
.Lfunc_end2:
_tile_overlayer_lowered:
.L_overlay_start_2:
0xf7: {  	(tag) =	ssettag $0x2  }
0xf8: {  	s0 =	rddreg [dreg:$0x0];
	s2 =	stileid.u32  }
0xf9: {  	s1 =	rddreg [dreg:$0x1];
	p0 =	sne.s32 s2, $0x0  }
0xfa: {  	s3 =	rddreg [dreg:$0x2];
	[bflag:$0x3] =	sbarrier.arrive $0xFFFF;
	s2 =	simm.s32 @!p0 $0x1C07  }
0xfb: {  	[timem:s3], [sflag:s2] =	dma.local @!p0 [hbm:s0], s1  }
0xfc: {  	s0 =	simm.s32 @!p0 $0x7  }
0xfd: {  	_ =	swait.ge @!p0 [sflag:s0], s1  }
0xfe: {  	s1 =	ssub.s32 @!p0 $0x0, s1;
	[sflag:s0] =	ssyncset.done @!p0 $0x0  }
0xff: {  	[sflag:s0] =	ssyncadd.s32 @!p0 s1  }
0x100: {  	[bflag:$0x3] =	sbarrier.arrive $0xFFFF  }
0x101: {  	_ =	shalt  }

</sc_bundles>
